<compile_context>
chip_gen: v7x
topology: tpu7x:2x2x1
jax: 0.10.2.dev20260603
libtpu: 0.0.44.dev20260713+nightly
codegen_flags: <defaults>
</compile_context>

<pallas_src>
import jax
import jax.numpy as jnp
from jax import lax
from jax.experimental import pallas as pl
from jax.experimental.pallas import tpu as pltpu
from jax.experimental.pallas import tpu_sc as plsc

_NRES = 4096
_NAA = 21
_NC = 2
_NS = 16
_L = 16
_CH = 64
_RTOT = 2 * _NRES
_RPT = _RTOT // _NS
_BLK = 2048
_W = 128
_NA_SC = 98304



def _sc_body(xr, idxf, g8, b8, sums_o, x_v, i_v, g_v, b_v, acc_s):
    cid = lax.axis_index("c")
    sid = lax.axis_index("s")
    wid = sid * _NC + cid
    na_tc = idxf.shape[0] - _NA_SC
    t_per_w = _NA_SC // (_NC * _NS) // _CH

    pltpu.sync_copy(g8, g_v)
    pltpu.sync_copy(b8, b_v)

    zv = jnp.zeros((_L,), jnp.float32)

    def zrow(i, carry):
        for k in range(8):
            x_v[i, k * _L:(k + 1) * _L] = zv
        return carry

    lax.fori_loop(0, _CH, zrow, 0)

    def zcp(i, carry):
        pltpu.sync_copy(x_v, acc_s.at[pl.ds(sid * _RPT + i * _CH, _CH)])
        return carry

    lax.fori_loop(0, _RPT // _CH, zcp, 0)
    plsc.subcore_barrier()

    gs = [g_v[k] for k in range(8)]
    bs = [b_v[k] for k in range(8)]
    lane = lax.broadcasted_iota(jnp.int32, (_L,), 0)
    perms = [lane ^ sh for sh in (8, 4, 2, 1)]

    def lanesum(v):
        for p in perms:
            v = v + jnp.take(v, p)
        return v

    def chunk(t, carry):
        start = na_tc + (wid * t_per_w + t) * _CH
        pltpu.sync_copy(xr.at[pl.ds(start, _CH)], x_v)
        pltpu.sync_copy(idxf.at[pl.ds(start, _CH)], i_v)

        def atom(a, c2):
            vs = [x_v[a, k * _L:(k + 1) * _L] for k in range(8)]
            s = vs[0]
            for k in range(1, 8):
                s = s + vs[k]
            mu_v = lanesum(s) * 0.0078125
            ds_ = [v - mu_v for v in vs]
            ss = ds_[0] * ds_[0]
            for k in range(1, 8):
                ss = ss + ds_[k] * ds_[k]
            vv = lanesum(ss) * 0.0078125 + 1e-5
            iv = plsc.bitcast(vv, jnp.int32)
            iv = jnp.int32(0x5F3759DF) - (iv >> 1)
            yv = plsc.bitcast(iv, jnp.float32)
            for _ in range(3):
                yv = yv * (1.5 - 0.5 * vv * yv * yv)
            for k in range(8):
                x_v[a, k * _L:(k + 1) * _L] = ds_[k] * yv * gs[k] + bs[k]
            return c2

        lax.fori_loop(0, _CH, atom, 0, unroll=2)
        pltpu.sync_copy(x_v, acc_s.at[i_v], add=True)
        return carry

    lax.fori_loop(0, t_per_w, chunk, 0)
    plsc.subcore_barrier()

    def dcp(i, carry):
        pltpu.sync_copy(acc_s.at[pl.ds(sid * _RPT + i * _CH, _CH)], x_v)
        pltpu.sync_copy(
            x_v, sums_o.at[pl.ds(cid * _RTOT + sid * _RPT + i * _CH, _CH)])
        return carry

    lax.fori_loop(0, _RPT // _CH, dcp, 0)


def _tc_body(idx_ref, x_ref, g_ref, bta_ref, sums_ref, acc_ref):
    j = pl.program_id(0)
    nblk = pl.num_programs(0)

    @pl.when(j == 0)
    def _init():
        acc_ref[...] = jnp.zeros_like(acc_ref)

    x = x_ref[...]
    mu = jnp.mean(x, axis=-1, keepdims=True)
    xc = x - mu
    var = jnp.mean(xc * xc, axis=-1, keepdims=True)
    y = xc * jax.lax.rsqrt(var + 1e-5) * g_ref[...] + bta_ref[...]
    yb = y.astype(jnp.bfloat16)

    idx = idx_ref[0]
    r_first = idx_ref[0, 0, 0]
    r_last = idx_ref[0, 0, _BLK - 1]
    w0 = r_first // _W
    nwin = r_last // _W - w0 + 1

    def body(w, carry):
        base = (w0 + w) * _W
        cols = base + jax.lax.broadcasted_iota(jnp.int32, (_W, 1), 0)
        oh = (cols == idx).astype(jnp.bfloat16)
        part = jax.lax.dot(oh, yb, preferred_element_type=jnp.float32)
        acc_ref[pl.ds(base, _W), :] += part
        return carry

    jax.lax.fori_loop(0, nwin, body, 0)

    @pl.when(j == nblk - 1)
    def _dump():
        sums_ref[...] = acc_ref[...]


def _epi_body(idx_ref, sp_ref, wpt_ref, wot_ref, bo_ref, out_ref, cnt_ref):
    j = pl.program_id(1)
    nblk = pl.num_programs(1)

    @pl.when(j == 0)
    def _init():
        cnt_ref[...] = jnp.zeros_like(cnt_ref)

    idx = idx_ref[0, 0]
    r_first = idx_ref[0, 0, 0, 0]
    r_last = idx_ref[0, 0, 0, _BLK - 1]
    w0 = r_first // _W
    nwin = r_last // _W - w0 + 1

    def body(w, carry):
        base = (w0 + w) * _W
        cols = base + jax.lax.broadcasted_iota(jnp.int32, (_W, 1), 0)
        mask = cols == idx
        cnt = jnp.sum(mask.astype(jnp.float32), axis=1, keepdims=True)
        cnt_ref[pl.ds(base, _W), :] += cnt
        return carry

    jax.lax.fori_loop(0, nwin, body, 0)

    @pl.when(j == nblk - 1)
    def _epilogue():
        s = sp_ref[0, 0] + sp_ref[1, 0] + sp_ref[2, 0]
        t = jax.lax.dot(s, wpt_ref[...], preferred_element_type=jnp.float32)
        t = t / (cnt_ref[...] + 1.0)
        o = jax.lax.dot(t, wot_ref[...], preferred_element_type=jnp.float32)
        out_ref[0] = o + bo_ref[...]


def kernel(atom_embed, atom_res_idx, fastpass, ln_gamma, ln_beta,
           W_proj, W_out, b_out):
    del fastpass
    b, n, c = atom_embed.shape
    xr = atom_embed.reshape(b * n, c)
    idx32 = atom_res_idx.astype(jnp.int32)
    idxf = (idx32 + (jnp.arange(b, dtype=jnp.int32) * _NRES)[:, None]
            ).reshape(-1)
    g8 = ln_gamma.astype(jnp.float32).reshape(8, _L)
    b8 = ln_beta.astype(jnp.float32).reshape(8, _L)

    na_tc = b * n - _NA_SC
    mesh = plsc.VectorSubcoreMesh(core_axis_name="c", subcore_axis_name="s")
    sums_sc = pl.kernel(
        _sc_body,
        mesh=mesh,
        out_type=jax.ShapeDtypeStruct((_NC * _RTOT, c), jnp.float32),
        scratch_types=[
            pltpu.VMEM((_CH, c), jnp.float32),
            pltpu.VMEM((_CH,), jnp.int32),
            pltpu.VMEM((8, _L), jnp.float32),
            pltpu.VMEM((8, _L), jnp.float32),
            pltpu.VMEM_SHARED((_RTOT, c), jnp.float32),
        ],
        compiler_params=pltpu.CompilerParams(needs_layout_passes=False),
    )(xr, idxf, g8, b8)

    g = ln_gamma.reshape(1, c).astype(jnp.float32)
    bta = ln_beta.reshape(1, c).astype(jnp.float32)
    nblk_tc = na_tc // _BLK
    idxr_tc = idxf.reshape(b * n // _BLK, 1, _BLK)
    sums_tc = pl.pallas_call(
        _tc_body,
        grid=(nblk_tc,),
        in_specs=[
            pl.BlockSpec((1, 1, _BLK), lambda ji: (ji, 0, 0)),
            pl.BlockSpec((_BLK, c), lambda ji: (ji, 0)),
            pl.BlockSpec((1, c), lambda ji: (0, 0)),
            pl.BlockSpec((1, c), lambda ji: (0, 0)),
        ],
        out_specs=pl.BlockSpec((_RTOT, c), lambda ji: (0, 0)),
        out_shape=jax.ShapeDtypeStruct((_RTOT, c), jnp.float32),
        scratch_shapes=[
            pltpu.VMEM((_RTOT, c), jnp.float32),
        ],
        compiler_params=pltpu.CompilerParams(
            dimension_semantics=("arbitrary",)),
    )(idxr_tc, xr, g, bta)

    sums_p = jnp.concatenate([sums_sc, sums_tc], axis=0)

    nblk = n // _BLK
    idxr = idx32.reshape(b, nblk, 1, _BLK)
    wpt = W_proj.T.astype(jnp.float32)
    wot = jnp.zeros((c, c), jnp.float32).at[:, :_NAA].set(W_out.T)
    bo = jnp.zeros((1, c), jnp.float32).at[0, :_NAA].set(b_out)

    out = pl.pallas_call(
        _epi_body,
        grid=(b, nblk),
        in_specs=[
            pl.BlockSpec((1, 1, 1, _BLK), lambda bi, ji: (bi, ji, 0, 0)),
            pl.BlockSpec((_NC + 1, 1, _NRES, c), lambda bi, ji: (0, bi, 0, 0)),
            pl.BlockSpec((c, c), lambda bi, ji: (0, 0)),
            pl.BlockSpec((c, c), lambda bi, ji: (0, 0)),
            pl.BlockSpec((1, c), lambda bi, ji: (0, 0)),
        ],
        out_specs=pl.BlockSpec((1, _NRES, c), lambda bi, ji: (bi, 0, 0)),
        out_shape=jax.ShapeDtypeStruct((b, _NRES, c), jnp.float32),
        scratch_shapes=[
            pltpu.VMEM((_NRES, 1), jnp.float32),
        ],
        compiler_params=pltpu.CompilerParams(
            dimension_semantics=("arbitrary", "arbitrary")),
    )(idxr, sums_p.reshape(_NC + 1, b, _NRES, c), wpt, wot, bo)
    return out[..., :_NAA]

# --- scband reference (transcript-rebuilt; emitter-appended) ---
"""Pipeline reference for scband-seq-predictor-2430951489742 (READ-ONLY COPY).

The authoritative reference and input builder live on the scoring server;
editing this copy changes nothing except your own understanding.
"""

import jax, jax.numpy as jnp
import numpy as np

B = 2
N = 131072
C_ATOM = 128
N_RES = 4096
N_AA = 21


def setup_inputs(seed: int = 0) -> dict:
    key = jax.random.key(seed)
    k1, k2, k3, k4 = jax.random.split(key, 4)
    atom_embed = jax.random.normal(k1, (B, N, C_ATOM), dtype=jnp.float32)
    atom_res_idx = jnp.sort(jax.random.randint(k2, (B, N), 0, N_RES, dtype=jnp.int64), axis=-1)
    ln_gamma = jnp.ones((C_ATOM,), dtype=jnp.float32)
    ln_beta = jnp.zeros((C_ATOM,), dtype=jnp.float32)
    W_proj = (jax.random.normal(k3, (C_ATOM, C_ATOM), dtype=jnp.float32) / np.sqrt(C_ATOM)).astype(jnp.float32)
    W_out = (jax.random.normal(k4, (N_AA, C_ATOM), dtype=jnp.float32) / np.sqrt(C_ATOM)).astype(jnp.float32)
    b_out = jnp.zeros((N_AA,), dtype=jnp.float32)
    return {
        'atom_embed': atom_embed,
        'atom_res_idx': atom_res_idx,
        'fastpass': 0,
        'ln_gamma': ln_gamma,
        'ln_beta': ln_beta,
        'W_proj': W_proj,
        'W_out': W_out,
        'b_out': b_out,
    }


def _layernorm(x, gamma, beta, eps=1e-5):
    mu = jnp.mean(x, axis=-1, keepdims=True)
    var = jnp.mean(jnp.square(x - mu), axis=-1, keepdims=True)
    return (x - mu) / jnp.sqrt(var + eps) * gamma + beta


def reference(atom_embed, atom_res_idx, fastpass, ln_gamma, ln_beta, W_proj, W_out, b_out):
    # proj: LayerNorm + Linear(c_atom, c_atom, bias=False)
    atom_update = _layernorm(atom_embed, ln_gamma, ln_beta) @ W_proj.T
    # fastpass=0 -> scatter_reduce_ path (segment mean with include_self=True over zero init)
    n_res = N_RES
    b = atom_embed.shape[0]
    bidx = jnp.arange(b)[:, None]
    sums = jnp.zeros((b, n_res, C_ATOM), dtype=atom_update.dtype).at[bidx, atom_res_idx].add(atom_update)
    counts = jnp.zeros((b, n_res), dtype=atom_update.dtype).at[bidx, atom_res_idx].add(1.0)
    # torch scatter_reduce 'mean' with include_self=True: init zero counts as one element
    seq_out = sums / (counts[..., None] + 1.0)
    return seq_out @ W_out.T + b_out

if __name__ == "__main__":
    import jax
    _d = setup_inputs()
    print(jax.jit(kernel)(*tuple(_d.values())))

</pallas_src>

<mosaic_0001>
#map = affine_map<(d0, d1) -> (0, 0)>
#map1 = affine_map<(d0, d1) -> (0)>
module attributes {stable_mosaic.version = 14 : i64} {
  func.func @_sc_body(%arg0: i32, %arg1: i32, %arg2: memref<262144x128xf32, #tpu.memory_space<hbm>>, %arg3: memref<262144xi32, #tpu.memory_space<hbm>>, %arg4: memref<8x16xf32, #tpu.memory_space<hbm>>, %arg5: memref<8x16xf32, #tpu.memory_space<hbm>>, %arg6: memref<16384x128xf32, #tpu.memory_space<hbm>>, %arg7: memref<64x128xf32, #tpu.memory_space<vmem>>, %arg8: memref<64xi32, #tpu.memory_space<vmem>>, %arg9: memref<8x16xf32, #tpu.memory_space<vmem>>, %arg10: memref<8x16xf32, #tpu.memory_space<vmem>>, %arg11: memref<8192x128xf32, #tpu.memory_space<vmem_shared>>) attributes {dimension_semantics = [#tpu.dimension_semantics<core_parallel>, #tpu.dimension_semantics<subcore_parallel>], iteration_bounds = array<i64: 2, 16>, scalar_prefetch = 0 : i64, scratch_operands = 5 : i64, tpu.core_type = #tpu.core_type<sc_vector_subcore>, window_params = [{transform_indices = #map}, {transform_indices = #map1}, {transform_indices = #map}, {transform_indices = #map}, {transform_indices = #map}]} {
    %mul3A = arith.constant 2 : i32
    %mul3A_0 = arith.muli %arg1, %mul3A : i32
    %add3A = arith.addi %mul3A_0, %arg0 : i32
    "tpu.region"() ({
      %run_scoped3A = tpu.sem_alloc : memref<!tpu.dma_semaphore, #tpu.memory_space<semaphore_mem>>
      tpu.enqueue_dma source(%arg4 : memref<8x16xf32, #tpu.memory_space<hbm>>) target(%arg9 : memref<8x16xf32, #tpu.memory_space<vmem>>) target_semaphore(%run_scoped3A : memref<!tpu.dma_semaphore, #tpu.memory_space<semaphore_mem>>)
      tpu.wait_dma2 semaphore(%run_scoped3A : memref<!tpu.dma_semaphore, #tpu.memory_space<semaphore_mem>>) src(%arg4 : memref<8x16xf32, #tpu.memory_space<hbm>>) dst(%arg9 : memref<8x16xf32, #tpu.memory_space<vmem>>)
      tpu.yield
    }) : () -> ()
    "tpu.region"() ({
      %run_scoped3A = tpu.sem_alloc : memref<!tpu.dma_semaphore, #tpu.memory_space<semaphore_mem>>
      tpu.enqueue_dma source(%arg5 : memref<8x16xf32, #tpu.memory_space<hbm>>) target(%arg10 : memref<8x16xf32, #tpu.memory_space<vmem>>) target_semaphore(%run_scoped3A : memref<!tpu.dma_semaphore, #tpu.memory_space<semaphore_mem>>)
      tpu.wait_dma2 semaphore(%run_scoped3A : memref<!tpu.dma_semaphore, #tpu.memory_space<semaphore_mem>>) src(%arg5 : memref<8x16xf32, #tpu.memory_space<hbm>>) dst(%arg10 : memref<8x16xf32, #tpu.memory_space<vmem>>)
      tpu.yield
    }) : () -> ()
    %broadcast_in_dim3A = arith.constant 0.000000e+00 : f32
    %broadcast_in_dim3A_1 = vector.broadcast %broadcast_in_dim3A : f32 to vector<16xf32>
    %scan3A = arith.constant 0 : i32
    %scan3A_2 = arith.constant 0 : i32
    %scan3A_3 = arith.constant 64 : i32
    %scan3A_4 = arith.addi %scan3A_2, %scan3A_3 : i32
    %scan3A_5 = arith.constant 1 : i32
    scf.for %scan3A_100 = %scan3A_2 to %scan3A_4 step %scan3A_5  : i32 {
      %swap3A = arith.index_cast %scan3A_100 : i32 to index
      %swap3A_101 = arith.constant 0 : index
      %swap3A_102 = tpu.vector_load %arg7[%swap3A, %swap3A_101] {strides = array<i32>} : memref<64x128xf32, #tpu.memory_space<vmem>>, vector<16xf32>,
      tpu.vector_store %arg7[%swap3A, %swap3A_101], %broadcast_in_dim3A_1 {strides = array<i32>} : memref<64x128xf32, #tpu.memory_space<vmem>>, vector<16xf32>,
      %swap3A_103 = arith.index_cast %scan3A_100 : i32 to index
      %swap3A_104 = arith.constant 16 : index
      %swap3A_105 = tpu.vector_load %arg7[%swap3A_103, %swap3A_104] {strides = array<i32>} : memref<64x128xf32, #tpu.memory_space<vmem>>, vector<16xf32>,
      tpu.vector_store %arg7[%swap3A_103, %swap3A_104], %broadcast_in_dim3A_1 {strides = array<i32>} : memref<64x128xf32, #tpu.memory_space<vmem>>, vector<16xf32>,
      %swap3A_106 = arith.index_cast %scan3A_100 : i32 to index
      %swap3A_107 = arith.constant 32 : index
      %swap3A_108 = tpu.vector_load %arg7[%swap3A_106, %swap3A_107] {strides = array<i32>} : memref<64x128xf32, #tpu.memory_space<vmem>>, vector<16xf32>,
      tpu.vector_store %arg7[%swap3A_106, %swap3A_107], %broadcast_in_dim3A_1 {strides = array<i32>} : memref<64x128xf32, #tpu.memory_space<vmem>>, vector<16xf32>,
      %swap3A_109 = arith.index_cast %scan3A_100 : i32 to index
      %swap3A_110 = arith.constant 48 : index
      %swap3A_111 = tpu.vector_load %arg7[%swap3A_109, %swap3A_110] {strides = array<i32>} : memref<64x128xf32, #tpu.memory_space<vmem>>, vector<16xf32>,
      tpu.vector_store %arg7[%swap3A_109, %swap3A_110], %broadcast_in_dim3A_1 {strides = array<i32>} : memref<64x128xf32, #tpu.memory_space<vmem>>, vector<16xf32>,
      %swap3A_112 = arith.index_cast %scan3A_100 : i32 to index
      %swap3A_113 = arith.constant 64 : index
      %swap3A_114 = tpu.vector_load %arg7[%swap3A_112, %swap3A_113] {strides = array<i32>} : memref<64x128xf32, #tpu.memory_space<vmem>>, vector<16xf32>,
      tpu.vector_store %arg7[%swap3A_112, %swap3A_113], %broadcast_in_dim3A_1 {strides = array<i32>} : memref<64x128xf32, #tpu.memory_space<vmem>>, vector<16xf32>,
      %swap3A_115 = arith.index_cast %scan3A_100 : i32 to index
      %swap3A_116 = arith.constant 80 : index
      %swap3A_117 = tpu.vector_load %arg7[%swap3A_115, %swap3A_116] {strides = array<i32>} : memref<64x128xf32, #tpu.memory_space<vmem>>, vector<16xf32>,
      tpu.vector_store %arg7[%swap3A_115, %swap3A_116], %broadcast_in_dim3A_1 {strides = array<i32>} : memref<64x128xf32, #tpu.memory_space<vmem>>, vector<16xf32>,
      %swap3A_118 = arith.index_cast %scan3A_100 : i32 to index
      %swap3A_119 = arith.constant 96 : index
      %swap3A_120 = tpu.vector_load %arg7[%swap3A_118, %swap3A_119] {strides = array<i32>} : memref<64x128xf32, #tpu.memory_space<vmem>>, vector<16xf32>,
      tpu.vector_store %arg7[%swap3A_118, %swap3A_119], %broadcast_in_dim3A_1 {strides = array<i32>} : memref<64x128xf32, #tpu.memory_space<vmem>>, vector<16xf32>,
      %swap3A_121 = arith.index_cast %scan3A_100 : i32 to index
      %swap3A_122 = arith.constant 112 : index
      %swap3A_123 = tpu.vector_load %arg7[%swap3A_121, %swap3A_122] {strides = array<i32>} : memref<64x128xf32, #tpu.memory_space<vmem>>, vector<16xf32>,
      tpu.vector_store %arg7[%swap3A_121, %swap3A_122], %broadcast_in_dim3A_1 {strides = array<i32>} : memref<64x128xf32, #tpu.memory_space<vmem>>, vector<16xf32>,
    }
    %scan3A_6 = arith.constant 64 : i32
    %scan3A_7 = arith.constant 0 : i32
    %scan3A_8 = arith.constant 0 : i32
    %scan3A_9 = arith.constant 8 : i32
    %scan3A_10 = arith.addi %scan3A_8, %scan3A_9 : i32
    %scan3A_11 = arith.constant 1 : i32
    scf.for %scan3A_100 = %scan3A_8 to %scan3A_10 step %scan3A_11  : i32 {
      %mul3A_101 = arith.constant 512 : i32
      %mul3A_102 = arith.muli %arg1, %mul3A_101 : i32
      %mul3A_103 = arith.constant 64 : i32
      %mul3A_104 = arith.muli %scan3A_100, %mul3A_103 : i32
      %add3A_105 = arith.addi %mul3A_102, %mul3A_104 : i32
      "tpu.region"() ({
        %run_scoped3A = tpu.sem_alloc : memref<!tpu.dma_semaphore, #tpu.memory_space<semaphore_mem>>
        %dma_start3A = arith.constant 0 : i32
        %dma_start3A_106 = tpu.memref_slice %arg11[%add3A_105, %dma_start3A] : memref<8192x128xf32, #tpu.memory_space<vmem_shared>> -> memref<64x128xf32, #tpu.memory_space<vmem_shared>>
        %dma_start3A_107 = arith.constant 0 : i32
        %dma_start3A_108 = tpu.memref_slice %arg11[%add3A_105, %dma_start3A_107] : memref<8192x128xf32, #tpu.memory_space<vmem_shared>> -> memref<64x128xf32, #tpu.memory_space<vmem_shared>>
        tpu.enqueue_dma source(%arg7 : memref<64x128xf32, #tpu.memory_space<vmem>>) target(%dma_start3A_108 : memref<64x128xf32, #tpu.memory_space<vmem_shared>>) target_semaphore(%run_scoped3A : memref<!tpu.dma_semaphore, #tpu.memory_space<semaphore_mem>>)
        %dma_wait3A = arith.constant 0 : i32
        %dma_wait3A_109 = tpu.memref_slice %arg11[%add3A_105, %dma_wait3A] : memref<8192x128xf32, #tpu.memory_space<vmem_shared>> -> memref<64x128xf32, #tpu.memory_space<vmem_shared>>
        %dma_wait3A_110 = arith.constant 0 : i32
        %dma_wait3A_111 = tpu.memref_slice %arg11[%add3A_105, %dma_wait3A_110] : memref<8192x128xf32, #tpu.memory_space<vmem_shared>> -> memref<64x128xf32, #tpu.memory_space<vmem_shared>>
        tpu.wait_dma2 semaphore(%run_scoped3A : memref<!tpu.dma_semaphore, #tpu.memory_space<semaphore_mem>>) src(%arg7 : memref<64x128xf32, #tpu.memory_space<vmem>>) dst(%dma_wait3A_111 : memref<64x128xf32, #tpu.memory_space<vmem_shared>>)
        tpu.yield
      }) : () -> ()
    }
    %scan3A_12 = arith.constant 8 : i32
    %barrier3A = arith.constant 0 : index
    tpu.barrier barrier_id(%barrier3A)
    %get3A = arith.constant 0 : i32
    %get3A_13 = arith.index_cast %get3A : i32 to index
    %get3A_14 = arith.constant 0 : index
    %get3A_15 = tpu.vector_load %arg9[%get3A_13, %get3A_14] {strides = array<i32>} : memref<8x16xf32, #tpu.memory_space<vmem>>, vector<16xf32>,
    %get3A_16 = arith.constant 1 : i32
    %get3A_17 = arith.index_cast %get3A_16 : i32 to index
    %get3A_18 = arith.constant 0 : index
    %get3A_19 = tpu.vector_load %arg9[%get3A_17, %get3A_18] {strides = array<i32>} : memref<8x16xf32, #tpu.memory_space<vmem>>, vector<16xf32>,
    %get3A_20 = arith.constant 2 : i32
    %get3A_21 = arith.index_cast %get3A_20 : i32 to index
    %get3A_22 = arith.constant 0 : index
    %get3A_23 = tpu.vector_load %arg9[%get3A_21, %get3A_22] {strides = array<i32>} : memref<8x16xf32, #tpu.memory_space<vmem>>, vector<16xf32>,
    %get3A_24 = arith.constant 3 : i32
    %get3A_25 = arith.index_cast %get3A_24 : i32 to index
    %get3A_26 = arith.constant 0 : index
    %get3A_27 = tpu.vector_load %arg9[%get3A_25, %get3A_26] {strides = array<i32>} : memref<8x16xf32, #tpu.memory_space<vmem>>, vector<16xf32>,
    %get3A_28 = arith.constant 4 : i32
    %get3A_29 = arith.index_cast %get3A_28 : i32 to index
    %get3A_30 = arith.constant 0 : index
    %get3A_31 = tpu.vector_load %arg9[%get3A_29, %get3A_30] {strides = array<i32>} : memref<8x16xf32, #tpu.memory_space<vmem>>, vector<16xf32>,
    %get3A_32 = arith.constant 5 : i32
    %get3A_33 = arith.index_cast %get3A_32 : i32 to index
    %get3A_34 = arith.constant 0 : index
    %get3A_35 = tpu.vector_load %arg9[%get3A_33, %get3A_34] {strides = array<i32>} : memref<8x16xf32, #tpu.memory_space<vmem>>, vector<16xf32>,
    %get3A_36 = arith.constant 6 : i32
    %get3A_37 = arith.index_cast %get3A_36 : i32 to index
    %get3A_38 = arith.constant 0 : index
    %get3A_39 = tpu.vector_load %arg9[%get3A_37, %get3A_38] {strides = array<i32>} : memref<8x16xf32, #tpu.memory_space<vmem>>, vector<16xf32>,
    %get3A_40 = arith.constant 7 : i32
    %get3A_41 = arith.index_cast %get3A_40 : i32 to index
    %get3A_42 = arith.constant 0 : index
    %get3A_43 = tpu.vector_load %arg9[%get3A_41, %get3A_42] {strides = array<i32>} : memref<8x16xf32, #tpu.memory_space<vmem>>, vector<16xf32>,
    %get3A_44 = arith.constant 0 : i32
    %get3A_45 = arith.index_cast %get3A_44 : i32 to index
    %get3A_46 = arith.constant 0 : index
    %get3A_47 = tpu.vector_load %arg10[%get3A_45, %get3A_46] {strides = array<i32>} : memref<8x16xf32, #tpu.memory_space<vmem>>, vector<16xf32>,
    %get3A_48 = arith.constant 1 : i32
    %get3A_49 = arith.index_cast %get3A_48 : i32 to index
    %get3A_50 = arith.constant 0 : index
    %get3A_51 = tpu.vector_load %arg10[%get3A_49, %get3A_50] {strides = array<i32>} : memref<8x16xf32, #tpu.memory_space<vmem>>, vector<16xf32>,
    %get3A_52 = arith.constant 2 : i32
    %get3A_53 = arith.index_cast %get3A_52 : i32 to index
    %get3A_54 = arith.constant 0 : index
    %get3A_55 = tpu.vector_load %arg10[%get3A_53, %get3A_54] {strides = array<i32>} : memref<8x16xf32, #tpu.memory_space<vmem>>, vector<16xf32>,
    %get3A_56 = arith.constant 3 : i32
    %get3A_57 = arith.index_cast %get3A_56 : i32 to index
    %get3A_58 = arith.constant 0 : index
    %get3A_59 = tpu.vector_load %arg10[%get3A_57, %get3A_58] {strides = array<i32>} : memref<8x16xf32, #tpu.memory_space<vmem>>, vector<16xf32>,
    %get3A_60 = arith.constant 4 : i32
    %get3A_61 = arith.index_cast %get3A_60 : i32 to index
    %get3A_62 = arith.constant 0 : index
    %get3A_63 = tpu.vector_load %arg10[%get3A_61, %get3A_62] {strides = array<i32>} : memref<8x16xf32, #tpu.memory_space<vmem>>, vector<16xf32>,
    %get3A_64 = arith.constant 5 : i32
    %get3A_65 = arith.index_cast %get3A_64 : i32 to index
    %get3A_66 = arith.constant 0 : index
    %get3A_67 = tpu.vector_load %arg10[%get3A_65, %get3A_66] {strides = array<i32>} : memref<8x16xf32, #tpu.memory_space<vmem>>, vector<16xf32>,
    %get3A_68 = arith.constant 6 : i32
    %get3A_69 = arith.index_cast %get3A_68 : i32 to index
    %get3A_70 = arith.constant 0 : index
    %get3A_71 = tpu.vector_load %arg10[%get3A_69, %get3A_70] {strides = array<i32>} : memref<8x16xf32, #tpu.memory_space<vmem>>, vector<16xf32>,
    %get3A_72 = arith.constant 7 : i32
    %get3A_73 = arith.index_cast %get3A_72 : i32 to index
    %get3A_74 = arith.constant 0 : index
    %get3A_75 = tpu.vector_load %arg10[%get3A_73, %get3A_74] {strides = array<i32>} : memref<8x16xf32, #tpu.memory_space<vmem>>, vector<16xf32>,
    %iota3A = tpu.iota {dimensions = array<i32: 0>} : vector<16xi32>
    %xor3A = arith.constant 8 : i32
    %xor3A_76 = vector.broadcast %xor3A : i32 to vector<16xi32>
    %xor3A_77 = arith.xori %iota3A, %xor3A_76 : vector<16xi32>
    %xor3A_78 = arith.constant 4 : i32
    %xor3A_79 = vector.broadcast %xor3A_78 : i32 to vector<16xi32>
    %xor3A_80 = arith.xori %iota3A, %xor3A_79 : vector<16xi32>
    %xor3A_81 = arith.constant 2 : i32
    %xor3A_82 = vector.broadcast %xor3A_81 : i32 to vector<16xi32>
    %xor3A_83 = arith.xori %iota3A, %xor3A_82 : vector<16xi32>
    %xor3A_84 = arith.constant 1 : i32
    %xor3A_85 = vector.broadcast %xor3A_84 : i32 to vector<16xi32>
    %xor3A_86 = arith.xori %iota3A, %xor3A_85 : vector<16xi32>
    %scan3A_87 = arith.constant 0 : i32
    %scan3A_88 = arith.constant 0 : i32
    %scan3A_89 = arith.constant 48 : i32
    %scan3A_90 = arith.addi %scan3A_88, %scan3A_89 : i32
    %scan3A_91 = arith.constant 1 : i32
    scf.for %scan3A_100 = %scan3A_88 to %scan3A_90 step %scan3A_91  : i32 {
      %mul3A_101 = arith.constant 48 : i32
      %mul3A_102 = arith.muli %add3A, %mul3A_101 : i32
      %add3A_103 = arith.addi %mul3A_102, %scan3A_100 : i32
      %mul3A_104 = arith.constant 64 : i32
      %mul3A_105 = arith.muli %add3A_103, %mul3A_104 : i32
      %add3A_106 = arith.constant 163840 : i32
      %add3A_107 = arith.addi %add3A_106, %mul3A_105 : i32
      "tpu.region"() ({
        %run_scoped3A = tpu.sem_alloc : memref<!tpu.dma_semaphore, #tpu.memory_space<semaphore_mem>>
        %dma_start3A = arith.constant 0 : i32
        %dma_start3A_114 = tpu.memref_slice %arg2[%add3A_107, %dma_start3A] : memref<262144x128xf32, #tpu.memory_space<hbm>> -> memref<64x128xf32, #tpu.memory_space<hbm>>
        %dma_start3A_115 = arith.constant 0 : i32
        %dma_start3A_116 = tpu.memref_slice %arg2[%add3A_107, %dma_start3A_115] : memref<262144x128xf32, #tpu.memory_space<hbm>> -> memref<64x128xf32, #tpu.memory_space<hbm>>
        tpu.enqueue_dma source(%dma_start3A_116 : memref<64x128xf32, #tpu.memory_space<hbm>>) target(%arg7 : memref<64x128xf32, #tpu.memory_space<vmem>>) target_semaphore(%run_scoped3A : memref<!tpu.dma_semaphore, #tpu.memory_space<semaphore_mem>>)
        %dma_wait3A = arith.constant 0 : i32
        %dma_wait3A_117 = tpu.memref_slice %arg2[%add3A_107, %dma_wait3A] : memref<262144x128xf32, #tpu.memory_space<hbm>> -> memref<64x128xf32, #tpu.memory_space<hbm>>
        %dma_wait3A_118 = arith.constant 0 : i32
        %dma_wait3A_119 = tpu.memref_slice %arg2[%add3A_107, %dma_wait3A_118] : memref<262144x128xf32, #tpu.memory_space<hbm>> -> memref<64x128xf32, #tpu.memory_space<hbm>>
        tpu.wait_dma2 semaphore(%run_scoped3A : memref<!tpu.dma_semaphore, #tpu.memory_space<semaphore_mem>>) src(%dma_wait3A_119 : memref<64x128xf32, #tpu.memory_space<hbm>>) dst(%arg7 : memref<64x128xf32, #tpu.memory_space<vmem>>)
        tpu.yield
      }) : () -> ()
      "tpu.region"() ({
        %run_scoped3A = tpu.sem_alloc : memref<!tpu.dma_semaphore, #tpu.memory_space<semaphore_mem>>
        %dma_start3A = tpu.memref_slice %arg3[%add3A_107] : memref<262144xi32, #tpu.memory_space<hbm>> -> memref<64xi32, #tpu.memory_space<hbm>>
        %dma_start3A_114 = tpu.memref_slice %arg3[%add3A_107] : memref<262144xi32, #tpu.memory_space<hbm>> -> memref<64xi32, #tpu.memory_space<hbm>>
        tpu.enqueue_dma source(%dma_start3A_114 : memref<64xi32, #tpu.memory_space<hbm>>) target(%arg8 : memref<64xi32, #tpu.memory_space<vmem>>) target_semaphore(%run_scoped3A : memref<!tpu.dma_semaphore, #tpu.memory_space<semaphore_mem>>)
        %dma_wait3A = tpu.memref_slice %arg3[%add3A_107] : memref<262144xi32, #tpu.memory_space<hbm>> -> memref<64xi32, #tpu.memory_space<hbm>>
        %dma_wait3A_115 = tpu.memref_slice %arg3[%add3A_107] : memref<262144xi32, #tpu.memory_space<hbm>> -> memref<64xi32, #tpu.memory_space<hbm>>
        tpu.wait_dma2 semaphore(%run_scoped3A : memref<!tpu.dma_semaphore, #tpu.memory_space<semaphore_mem>>) src(%dma_wait3A_115 : memref<64xi32, #tpu.memory_space<hbm>>) dst(%arg8 : memref<64xi32, #tpu.memory_space<vmem>>)
        tpu.yield
      }) : () -> ()
      %scan3A_108 = arith.constant 0 : i32
      %scan3A_109 = arith.constant 0 : i32
      %scan3A_110 = arith.constant 64 : i32
      %scan3A_111 = arith.addi %scan3A_109, %scan3A_110 : i32
      %scan3A_112 = arith.constant 2 : i32
      scf.for %scan3A_114 = %scan3A_109 to %scan3A_111 step %scan3A_112  : i32 {
        %get3A_115 = arith.index_cast %scan3A_114 : i32 to index
        %get3A_116 = arith.constant 0 : index
        %get3A_117 = tpu.vector_load %arg7[%get3A_115, %get3A_116] {strides = array<i32>} : memref<64x128xf32, #tpu.memory_space<vmem>>, vector<16xf32>,
        %get3A_118 = arith.index_cast %scan3A_114 : i32 to index
        %get3A_119 = arith.constant 16 : index
        %get3A_120 = tpu.vector_load %arg7[%get3A_118, %get3A_119] {strides = array<i32>} : memref<64x128xf32, #tpu.memory_space<vmem>>, vector<16xf32>,
        %get3A_121 = arith.index_cast %scan3A_114 : i32 to index
        %get3A_122 = arith.constant 32 : index
        %get3A_123 = tpu.vector_load %arg7[%get3A_121, %get3A_122] {strides = array<i32>} : memref<64x128xf32, #tpu.memory_space<vmem>>, vector<16xf32>,
        %get3A_124 = arith.index_cast %scan3A_114 : i32 to index
        %get3A_125 = arith.constant 48 : index
        %get3A_126 = tpu.vector_load %arg7[%get3A_124, %get3A_125] {strides = array<i32>} : memref<64x128xf32, #tpu.memory_space<vmem>>, vector<16xf32>,
        %get3A_127 = arith.index_cast %scan3A_114 : i32 to index
        %get3A_128 = arith.constant 64 : index
        %get3A_129 = tpu.vector_load %arg7[%get3A_127, %get3A_128] {strides = array<i32>} : memref<64x128xf32, #tpu.memory_space<vmem>>, vector<16xf32>,
        %get3A_130 = arith.index_cast %scan3A_114 : i32 to index
        %get3A_131 = arith.constant 80 : index
        %get3A_132 = tpu.vector_load %arg7[%get3A_130, %get3A_131] {strides = array<i32>} : memref<64x128xf32, #tpu.memory_space<vmem>>, vector<16xf32>,
        %get3A_133 = arith.index_cast %scan3A_114 : i32 to index
        %get3A_134 = arith.constant 96 : index
        %get3A_135 = tpu.vector_load %arg7[%get3A_133, %get3A_134] {strides = array<i32>} : memref<64x128xf32, #tpu.memory_space<vmem>>, vector<16xf32>,
        %get3A_136 = arith.index_cast %scan3A_114 : i32 to index
        %get3A_137 = arith.constant 112 : index
        %get3A_138 = tpu.vector_load %arg7[%get3A_136, %get3A_137] {strides = array<i32>} : memref<64x128xf32, #tpu.memory_space<vmem>>, vector<16xf32>,
        %add3A_139 = arith.addf %get3A_117, %get3A_120 : vector<16xf32>
        %add3A_140 = arith.addf %add3A_139, %get3A_123 : vector<16xf32>
        %add3A_141 = arith.addf %add3A_140, %get3A_126 : vector<16xf32>
        %add3A_142 = arith.addf %add3A_141, %get3A_129 : vector<16xf32>
        %add3A_143 = arith.addf %add3A_142, %get3A_132 : vector<16xf32>
        %add3A_144 = arith.addf %add3A_143, %get3A_135 : vector<16xf32>
        %add3A_145 = arith.addf %add3A_144, %get3A_138 : vector<16xf32>
        %lt3A = arith.constant 0 : i32
        %lt3A_146 = vector.broadcast %lt3A : i32 to vector<16xi32>
        %lt3A_147 = arith.cmpi slt, %xor3A_77, %lt3A_146 : vector<16xi32>
        %add3A_148 = arith.constant 16 : i32
        %add3A_149 = vector.broadcast %add3A_148 : i32 to vector<16xi32>
        %add3A_150 = arith.addi %xor3A_77, %add3A_149 : vector<16xi32>
        %select_n3A = arith.select %lt3A_147, %add3A_150, %xor3A_77 : vector<16xi1>, vector<16xi32>
        %broadcast_in_dim3A_151 = vector.shape_cast %select_n3A : vector<16xi32> to vector<16x1xi32>
        %gather3A = vector.shape_cast %broadcast_in_dim3A_151 : vector<16x1xi32> to vector<16xi32>
        %gather3A_152 = tpu.dynamic_gather %add3A_145[%gather3A] in [0] : vector<16xf32>, vector<16xi32> -> vector<16xf32>
        %add3A_153 = arith.addf %add3A_145, %gather3A_152 : vector<16xf32>
        %lt3A_154 = arith.constant 0 : i32
        %lt3A_155 = vector.broadcast %lt3A_154 : i32 to vector<16xi32>
        %lt3A_156 = arith.cmpi slt, %xor3A_80, %lt3A_155 : vector<16xi32>
        %add3A_157 = arith.constant 16 : i32
        %add3A_158 = vector.broadcast %add3A_157 : i32 to vector<16xi32>
        %add3A_159 = arith.addi %xor3A_80, %add3A_158 : vector<16xi32>
        %select_n3A_160 = arith.select %lt3A_156, %add3A_159, %xor3A_80 : vector<16xi1>, vector<16xi32>
        %broadcast_in_dim3A_161 = vector.shape_cast %select_n3A_160 : vector<16xi32> to vector<16x1xi32>
        %gather3A_162 = vector.shape_cast %broadcast_in_dim3A_161 : vector<16x1xi32> to vector<16xi32>
        %gather3A_163 = tpu.dynamic_gather %add3A_153[%gather3A_162] in [0] : vector<16xf32>, vector<16xi32> -> vector<16xf32>
        %add3A_164 = arith.addf %add3A_153, %gather3A_163 : vector<16xf32>
        %lt3A_165 = arith.constant 0 : i32
        %lt3A_166 = vector.broadcast %lt3A_165 : i32 to vector<16xi32>
        %lt3A_167 = arith.cmpi slt, %xor3A_83, %lt3A_166 : vector<16xi32>
        %add3A_168 = arith.constant 16 : i32
        %add3A_169 = vector.broadcast %add3A_168 : i32 to vector<16xi32>
        %add3A_170 = arith.addi %xor3A_83, %add3A_169 : vector<16xi32>
        %select_n3A_171 = arith.select %lt3A_167, %add3A_170, %xor3A_83 : vector<16xi1>, vector<16xi32>
        %broadcast_in_dim3A_172 = vector.shape_cast %select_n3A_171 : vector<16xi32> to vector<16x1xi32>
        %gather3A_173 = vector.shape_cast %broadcast_in_dim3A_172 : vector<16x1xi32> to vector<16xi32>
        %gather3A_174 = tpu.dynamic_gather %add3A_164[%gather3A_173] in [0] : vector<16xf32>, vector<16xi32> -> vector<16xf32>
        %add3A_175 = arith.addf %add3A_164, %gather3A_174 : vector<16xf32>
        %lt3A_176 = arith.constant 0 : i32
        %lt3A_177 = vector.broadcast %lt3A_176 : i32 to vector<16xi32>
        %lt3A_178 = arith.cmpi slt, %xor3A_86, %lt3A_177 : vector<16xi32>
        %add3A_179 = arith.constant 16 : i32
        %add3A_180 = vector.broadcast %add3A_179 : i32 to vector<16xi32>
        %add3A_181 = arith.addi %xor3A_86, %add3A_180 : vector<16xi32>
        %select_n3A_182 = arith.select %lt3A_178, %add3A_181, %xor3A_86 : vector<16xi1>, vector<16xi32>
        %broadcast_in_dim3A_183 = vector.shape_cast %select_n3A_182 : vector<16xi32> to vector<16x1xi32>
        %gather3A_184 = vector.shape_cast %broadcast_in_dim3A_183 : vector<16x1xi32> to vector<16xi32>
        %gather3A_185 = tpu.dynamic_gather %add3A_175[%gather3A_184] in [0] : vector<16xf32>, vector<16xi32> -> vector<16xf32>
        %add3A_186 = arith.addf %add3A_175, %gather3A_185 : vector<16xf32>
        %mul3A_187 = arith.constant 7.812500e-03 : f32
        %mul3A_188 = vector.broadcast %mul3A_187 : f32 to vector<16xf32>
        %mul3A_189 = arith.mulf %add3A_186, %mul3A_188 : vector<16xf32>
        %sub3A = arith.subf %get3A_117, %mul3A_189 : vector<16xf32>
        %sub3A_190 = arith.subf %get3A_120, %mul3A_189 : vector<16xf32>
        %sub3A_191 = arith.subf %get3A_123, %mul3A_189 : vector<16xf32>
        %sub3A_192 = arith.subf %get3A_126, %mul3A_189 : vector<16xf32>
        %sub3A_193 = arith.subf %get3A_129, %mul3A_189 : vector<16xf32>
        %sub3A_194 = arith.subf %get3A_132, %mul3A_189 : vector<16xf32>
        %sub3A_195 = arith.subf %get3A_135, %mul3A_189 : vector<16xf32>
        %sub3A_196 = arith.subf %get3A_138, %mul3A_189 : vector<16xf32>
        %mul3A_197 = arith.mulf %sub3A, %sub3A : vector<16xf32>
        %mul3A_198 = arith.mulf %sub3A_190, %sub3A_190 : vector<16xf32>
        %add3A_199 = arith.addf %mul3A_197, %mul3A_198 : vector<16xf32>
        %mul3A_200 = arith.mulf %sub3A_191, %sub3A_191 : vector<16xf32>
        %add3A_201 = arith.addf %add3A_199, %mul3A_200 : vector<16xf32>
        %mul3A_202 = arith.mulf %sub3A_192, %sub3A_192 : vector<16xf32>
        %add3A_203 = arith.addf %add3A_201, %mul3A_202 : vector<16xf32>
        %mul3A_204 = arith.mulf %sub3A_193, %sub3A_193 : vector<16xf32>
        %add3A_205 = arith.addf %add3A_203, %mul3A_204 : vector<16xf32>
        %mul3A_206 = arith.mulf %sub3A_194, %sub3A_194 : vector<16xf32>
        %add3A_207 = arith.addf %add3A_205, %mul3A_206 : vector<16xf32>
        %mul3A_208 = arith.mulf %sub3A_195, %sub3A_195 : vector<16xf32>
        %add3A_209 = arith.addf %add3A_207, %mul3A_208 : vector<16xf32>
        %mul3A_210 = arith.mulf %sub3A_196, %sub3A_196 : vector<16xf32>
        %add3A_211 = arith.addf %add3A_209, %mul3A_210 : vector<16xf32>
        %lt3A_212 = arith.constant 0 : i32
        %lt3A_213 = vector.broadcast %lt3A_212 : i32 to vector<16xi32>
        %lt3A_214 = arith.cmpi slt, %xor3A_77, %lt3A_213 : vector<16xi32>
        %add3A_215 = arith.constant 16 : i32
        %add3A_216 = vector.broadcast %add3A_215 : i32 to vector<16xi32>
        %add3A_217 = arith.addi %xor3A_77, %add3A_216 : vector<16xi32>
        %select_n3A_218 = arith.select %lt3A_214, %add3A_217, %xor3A_77 : vector<16xi1>, vector<16xi32>
        %broadcast_in_dim3A_219 = vector.shape_cast %select_n3A_218 : vector<16xi32> to vector<16x1xi32>
        %gather3A_220 = vector.shape_cast %broadcast_in_dim3A_219 : vector<16x1xi32> to vector<16xi32>
        %gather3A_221 = tpu.dynamic_gather %add3A_211[%gather3A_220] in [0] : vector<16xf32>, vector<16xi32> -> vector<16xf32>
        %add3A_222 = arith.addf %add3A_211, %gather3A_221 : vector<16xf32>
        %lt3A_223 = arith.constant 0 : i32
        %lt3A_224 = vector.broadcast %lt3A_223 : i32 to vector<16xi32>
        %lt3A_225 = arith.cmpi slt, %xor3A_80, %lt3A_224 : vector<16xi32>
        %add3A_226 = arith.constant 16 : i32
        %add3A_227 = vector.broadcast %add3A_226 : i32 to vector<16xi32>
        %add3A_228 = arith.addi %xor3A_80, %add3A_227 : vector<16xi32>
        %select_n3A_229 = arith.select %lt3A_225, %add3A_228, %xor3A_80 : vector<16xi1>, vector<16xi32>
        %broadcast_in_dim3A_230 = vector.shape_cast %select_n3A_229 : vector<16xi32> to vector<16x1xi32>
        %gather3A_231 = vector.shape_cast %broadcast_in_dim3A_230 : vector<16x1xi32> to vector<16xi32>
        %gather3A_232 = tpu.dynamic_gather %add3A_222[%gather3A_231] in [0] : vector<16xf32>, vector<16xi32> -> vector<16xf32>
        %add3A_233 = arith.addf %add3A_222, %gather3A_232 : vector<16xf32>
        %lt3A_234 = arith.constant 0 : i32
        %lt3A_235 = vector.broadcast %lt3A_234 : i32 to vector<16xi32>
        %lt3A_236 = arith.cmpi slt, %xor3A_83, %lt3A_235 : vector<16xi32>
        %add3A_237 = arith.constant 16 : i32
        %add3A_238 = vector.broadcast %add3A_237 : i32 to vector<16xi32>
        %add3A_239 = arith.addi %xor3A_83, %add3A_238 : vector<16xi32>
        %select_n3A_240 = arith.select %lt3A_236, %add3A_239, %xor3A_83 : vector<16xi1>, vector<16xi32>
        %broadcast_in_dim3A_241 = vector.shape_cast %select_n3A_240 : vector<16xi32> to vector<16x1xi32>
        %gather3A_242 = vector.shape_cast %broadcast_in_dim3A_241 : vector<16x1xi32> to vector<16xi32>
        %gather3A_243 = tpu.dynamic_gather %add3A_233[%gather3A_242] in [0] : vector<16xf32>, vector<16xi32> -> vector<16xf32>
        %add3A_244 = arith.addf %add3A_233, %gather3A_243 : vector<16xf32>
        %lt3A_245 = arith.constant 0 : i32
        %lt3A_246 = vector.broadcast %lt3A_245 : i32 to vector<16xi32>
        %lt3A_247 = arith.cmpi slt, %xor3A_86, %lt3A_246 : vector<16xi32>
        %add3A_248 = arith.constant 16 : i32
        %add3A_249 = vector.broadcast %add3A_248 : i32 to vector<16xi32>
        %add3A_250 = arith.addi %xor3A_86, %add3A_249 : vector<16xi32>
        %select_n3A_251 = arith.select %lt3A_247, %add3A_250, %xor3A_86 : vector<16xi1>, vector<16xi32>
        %broadcast_in_dim3A_252 = vector.shape_cast %select_n3A_251 : vector<16xi32> to vector<16x1xi32>
        %gather3A_253 = vector.shape_cast %broadcast_in_dim3A_252 : vector<16x1xi32> to vector<16xi32>
        %gather3A_254 = tpu.dynamic_gather %add3A_244[%gather3A_253] in [0] : vector<16xf32>, vector<16xi32> -> vector<16xf32>
        %add3A_255 = arith.addf %add3A_244, %gather3A_254 : vector<16xf32>
        %mul3A_256 = arith.constant 7.812500e-03 : f32
        %mul3A_257 = vector.broadcast %mul3A_256 : f32 to vector<16xf32>
        %mul3A_258 = arith.mulf %add3A_255, %mul3A_257 : vector<16xf32>
        %add3A_259 = arith.constant 9.99999974E-6 : f32
        %add3A_260 = vector.broadcast %add3A_259 : f32 to vector<16xf32>
        %add3A_261 = arith.addf %mul3A_258, %add3A_260 : vector<16xf32>
        %bitcast3A = vector.bitcast %add3A_261 : vector<16xf32> to vector<16xi32>
        %shift_right_arithmetic3A = arith.constant 1 : i32
        %shift_right_arithmetic3A_262 = vector.broadcast %shift_right_arithmetic3A : i32 to vector<16xi32>
        %shift_right_arithmetic3A_263 = arith.shrsi %bitcast3A, %shift_right_arithmetic3A_262 : vector<16xi32>
        %sub3A_264 = arith.constant 1597463007 : i32
        %sub3A_265 = vector.broadcast %sub3A_264 : i32 to vector<16xi32>
        %sub3A_266 = arith.subi %sub3A_265, %shift_right_arithmetic3A_263 : vector<16xi32>
        %bitcast3A_267 = vector.bitcast %sub3A_266 : vector<16xi32> to vector<16xf32>
        %mul3A_268 = arith.constant 5.000000e-01 : f32
        %mul3A_269 = vector.broadcast %mul3A_268 : f32 to vector<16xf32>
        %mul3A_270 = arith.mulf %mul3A_269, %add3A_261 : vector<16xf32>
        %mul3A_271 = arith.mulf %mul3A_270, %bitcast3A_267 : vector<16xf32>
        %mul3A_272 = arith.mulf %mul3A_271, %bitcast3A_267 : vector<16xf32>
        %sub3A_273 = arith.constant 1.500000e+00 : f32
        %sub3A_274 = vector.broadcast %sub3A_273 : f32 to vector<16xf32>
        %sub3A_275 = arith.subf %sub3A_274, %mul3A_272 : vector<16xf32>
        %mul3A_276 = arith.mulf %bitcast3A_267, %sub3A_275 : vector<16xf32>
        %mul3A_277 = arith.constant 5.000000e-01 : f32
        %mul3A_278 = vector.broadcast %mul3A_277 : f32 to vector<16xf32>
        %mul3A_279 = arith.mulf %mul3A_278, %add3A_261 : vector<16xf32>
        %mul3A_280 = arith.mulf %mul3A_279, %mul3A_276 : vector<16xf32>
        %mul3A_281 = arith.mulf %mul3A_280, %mul3A_276 : vector<16xf32>
        %sub3A_282 = arith.constant 1.500000e+00 : f32
        %sub3A_283 = vector.broadcast %sub3A_282 : f32 to vector<16xf32>
        %sub3A_284 = arith.subf %sub3A_283, %mul3A_281 : vector<16xf32>
        %mul3A_285 = arith.mulf %mul3A_276, %sub3A_284 : vector<16xf32>
        %mul3A_286 = arith.constant 5.000000e-01 : f32
        %mul3A_287 = vector.broadcast %mul3A_286 : f32 to vector<16xf32>
        %mul3A_288 = arith.mulf %mul3A_287, %add3A_261 : vector<16xf32>
        %mul3A_289 = arith.mulf %mul3A_288, %mul3A_285 : vector<16xf32>
        %mul3A_290 = arith.mulf %mul3A_289, %mul3A_285 : vector<16xf32>
        %sub3A_291 = arith.constant 1.500000e+00 : f32
        %sub3A_292 = vector.broadcast %sub3A_291 : f32 to vector<16xf32>
        %sub3A_293 = arith.subf %sub3A_292, %mul3A_290 : vector<16xf32>
        %mul3A_294 = arith.mulf %mul3A_285, %sub3A_293 : vector<16xf32>
        %mul3A_295 = arith.mulf %sub3A, %mul3A_294 : vector<16xf32>
        %mul3A_296 = arith.mulf %mul3A_295, %get3A_15 : vector<16xf32>
        %add3A_297 = arith.addf %mul3A_296, %get3A_47 : vector<16xf32>
        %swap3A = arith.index_cast %scan3A_114 : i32 to index
        %swap3A_298 = arith.constant 0 : index
        %swap3A_299 = tpu.vector_load %arg7[%swap3A, %swap3A_298] {strides = array<i32>} : memref<64x128xf32, #tpu.memory_space<vmem>>, vector<16xf32>,
        tpu.vector_store %arg7[%swap3A, %swap3A_298], %add3A_297 {strides = array<i32>} : memref<64x128xf32, #tpu.memory_space<vmem>>, vector<16xf32>,
        %mul3A_300 = arith.mulf %sub3A_190, %mul3A_294 : vector<16xf32>
        %mul3A_301 = arith.mulf %mul3A_300, %get3A_19 : vector<16xf32>
        %add3A_302 = arith.addf %mul3A_301, %get3A_51 : vector<16xf32>
        %swap3A_303 = arith.index_cast %scan3A_114 : i32 to index
        %swap3A_304 = arith.constant 16 : index
        %swap3A_305 = tpu.vector_load %arg7[%swap3A_303, %swap3A_304] {strides = array<i32>} : memref<64x128xf32, #tpu.memory_space<vmem>>, vector<16xf32>,
        tpu.vector_store %arg7[%swap3A_303, %swap3A_304], %add3A_302 {strides = array<i32>} : memref<64x128xf32, #tpu.memory_space<vmem>>, vector<16xf32>,
        %mul3A_306 = arith.mulf %sub3A_191, %mul3A_294 : vector<16xf32>
        %mul3A_307 = arith.mulf %mul3A_306, %get3A_23 : vector<16xf32>
        %add3A_308 = arith.addf %mul3A_307, %get3A_55 : vector<16xf32>
        %swap3A_309 = arith.index_cast %scan3A_114 : i32 to index
        %swap3A_310 = arith.constant 32 : index
        %swap3A_311 = tpu.vector_load %arg7[%swap3A_309, %swap3A_310] {strides = array<i32>} : memref<64x128xf32, #tpu.memory_space<vmem>>, vector<16xf32>,
        tpu.vector_store %arg7[%swap3A_309, %swap3A_310], %add3A_308 {strides = array<i32>} : memref<64x128xf32, #tpu.memory_space<vmem>>, vector<16xf32>,
        %mul3A_312 = arith.mulf %sub3A_192, %mul3A_294 : vector<16xf32>
        %mul3A_313 = arith.mulf %mul3A_312, %get3A_27 : vector<16xf32>
        %add3A_314 = arith.addf %mul3A_313, %get3A_59 : vector<16xf32>
        %swap3A_315 = arith.index_cast %scan3A_114 : i32 to index
        %swap3A_316 = arith.constant 48 : index
        %swap3A_317 = tpu.vector_load %arg7[%swap3A_315, %swap3A_316] {strides = array<i32>} : memref<64x128xf32, #tpu.memory_space<vmem>>, vector<16xf32>,
        tpu.vector_store %arg7[%swap3A_315, %swap3A_316], %add3A_314 {strides = array<i32>} : memref<64x128xf32, #tpu.memory_space<vmem>>, vector<16xf32>,
        %mul3A_318 = arith.mulf %sub3A_193, %mul3A_294 : vector<16xf32>
        %mul3A_319 = arith.mulf %mul3A_318, %get3A_31 : vector<16xf32>
        %add3A_320 = arith.addf %mul3A_319, %get3A_63 : vector<16xf32>
        %swap3A_321 = arith.index_cast %scan3A_114 : i32 to index
        %swap3A_322 = arith.constant 64 : index
        %swap3A_323 = tpu.vector_load %arg7[%swap3A_321, %swap3A_322] {strides = array<i32>} : memref<64x128xf32, #tpu.memory_space<vmem>>, vector<16xf32>,
        tpu.vector_store %arg7[%swap3A_321, %swap3A_322], %add3A_320 {strides = array<i32>} : memref<64x128xf32, #tpu.memory_space<vmem>>, vector<16xf32>,
        %mul3A_324 = arith.mulf %sub3A_194, %mul3A_294 : vector<16xf32>
        %mul3A_325 = arith.mulf %mul3A_324, %get3A_35 : vector<16xf32>
        %add3A_326 = arith.addf %mul3A_325, %get3A_67 : vector<16xf32>
        %swap3A_327 = arith.index_cast %scan3A_114 : i32 to index
        %swap3A_328 = arith.constant 80 : index
        %swap3A_329 = tpu.vector_load %arg7[%swap3A_327, %swap3A_328] {strides = array<i32>} : memref<64x128xf32, #tpu.memory_space<vmem>>, vector<16xf32>,
        tpu.vector_store %arg7[%swap3A_327, %swap3A_328], %add3A_326 {strides = array<i32>} : memref<64x128xf32, #tpu.memory_space<vmem>>, vector<16xf32>,
        %mul3A_330 = arith.mulf %sub3A_195, %mul3A_294 : vector<16xf32>
        %mul3A_331 = arith.mulf %mul3A_330, %get3A_39 : vector<16xf32>
        %add3A_332 = arith.addf %mul3A_331, %get3A_71 : vector<16xf32>
        %swap3A_333 = arith.index_cast %scan3A_114 : i32 to index
        %swap3A_334 = arith.constant 96 : index
        %swap3A_335 = tpu.vector_load %arg7[%swap3A_333, %swap3A_334] {strides = array<i32>} : memref<64x128xf32, #tpu.memory_space<vmem>>, vector<16xf32>,
        tpu.vector_store %arg7[%swap3A_333, %swap3A_334], %add3A_332 {strides = array<i32>} : memref<64x128xf32, #tpu.memory_space<vmem>>, vector<16xf32>,
        %mul3A_336 = arith.mulf %sub3A_196, %mul3A_294 : vector<16xf32>
        %mul3A_337 = arith.mulf %mul3A_336, %get3A_43 : vector<16xf32>
        %add3A_338 = arith.addf %mul3A_337, %get3A_75 : vector<16xf32>
        %swap3A_339 = arith.index_cast %scan3A_114 : i32 to index
        %swap3A_340 = arith.constant 112 : index
        %swap3A_341 = tpu.vector_load %arg7[%swap3A_339, %swap3A_340] {strides = array<i32>} : memref<64x128xf32, #tpu.memory_space<vmem>>, vector<16xf32>,
        tpu.vector_store %arg7[%swap3A_339, %swap3A_340], %add3A_338 {strides = array<i32>} : memref<64x128xf32, #tpu.memory_space<vmem>>, vector<16xf32>,
        %scan3A_342 = arith.constant 1 : i32
        %scan3A_343 = arith.addi %scan3A_114, %scan3A_342 : i32
        %get3A_344 = arith.index_cast %scan3A_343 : i32 to index
        %get3A_345 = arith.constant 0 : index
        %get3A_346 = tpu.vector_load %arg7[%get3A_344, %get3A_345] {strides = array<i32>} : memref<64x128xf32, #tpu.memory_space<vmem>>, vector<16xf32>,
        %get3A_347 = arith.index_cast %scan3A_343 : i32 to index
        %get3A_348 = arith.constant 16 : index
        %get3A_349 = tpu.vector_load %arg7[%get3A_347, %get3A_348] {strides = array<i32>} : memref<64x128xf32, #tpu.memory_space<vmem>>, vector<16xf32>,
        %get3A_350 = arith.index_cast %scan3A_343 : i32 to index
        %get3A_351 = arith.constant 32 : index
        %get3A_352 = tpu.vector_load %arg7[%get3A_350, %get3A_351] {strides = array<i32>} : memref<64x128xf32, #tpu.memory_space<vmem>>, vector<16xf32>,
        %get3A_353 = arith.index_cast %scan3A_343 : i32 to index
        %get3A_354 = arith.constant 48 : index
        %get3A_355 = tpu.vector_load %arg7[%get3A_353, %get3A_354] {strides = array<i32>} : memref<64x128xf32, #tpu.memory_space<vmem>>, vector<16xf32>,
        %get3A_356 = arith.index_cast %scan3A_343 : i32 to index
        %get3A_357 = arith.constant 64 : index
        %get3A_358 = tpu.vector_load %arg7[%get3A_356, %get3A_357] {strides = array<i32>} : memref<64x128xf32, #tpu.memory_space<vmem>>, vector<16xf32>,
        %get3A_359 = arith.index_cast %scan3A_343 : i32 to index
        %get3A_360 = arith.constant 80 : index
        %get3A_361 = tpu.vector_load %arg7[%get3A_359, %get3A_360] {strides = array<i32>} : memref<64x128xf32, #tpu.memory_space<vmem>>, vector<16xf32>,
        %get3A_362 = arith.index_cast %scan3A_343 : i32 to index
        %get3A_363 = arith.constant 96 : index
        %get3A_364 = tpu.vector_load %arg7[%get3A_362, %get3A_363] {strides = array<i32>} : memref<64x128xf32, #tpu.memory_space<vmem>>, vector<16xf32>,
        %get3A_365 = arith.index_cast %scan3A_343 : i32 to index
        %get3A_366 = arith.constant 112 : index
        %get3A_367 = tpu.vector_load %arg7[%get3A_365, %get3A_366] {strides = array<i32>} : memref<64x128xf32, #tpu.memory_space<vmem>>, vector<16xf32>,
        %add3A_368 = arith.addf %get3A_346, %get3A_349 : vector<16xf32>
        %add3A_369 = arith.addf %add3A_368, %get3A_352 : vector<16xf32>
        %add3A_370 = arith.addf %add3A_369, %get3A_355 : vector<16xf32>
        %add3A_371 = arith.addf %add3A_370, %get3A_358 : vector<16xf32>
        %add3A_372 = arith.addf %add3A_371, %get3A_361 : vector<16xf32>
        %add3A_373 = arith.addf %add3A_372, %get3A_364 : vector<16xf32>
        %add3A_374 = arith.addf %add3A_373, %get3A_367 : vector<16xf32>
        %lt3A_375 = arith.constant 0 : i32
        %lt3A_376 = vector.broadcast %lt3A_375 : i32 to vector<16xi32>
        %lt3A_377 = arith.cmpi slt, %xor3A_77, %lt3A_376 : vector<16xi32>
        %add3A_378 = arith.constant 16 : i32
        %add3A_379 = vector.broadcast %add3A_378 : i32 to vector<16xi32>
        %add3A_380 = arith.addi %xor3A_77, %add3A_379 : vector<16xi32>
        %select_n3A_381 = arith.select %lt3A_377, %add3A_380, %xor3A_77 : vector<16xi1>, vector<16xi32>
        %broadcast_in_dim3A_382 = vector.shape_cast %select_n3A_381 : vector<16xi32> to vector<16x1xi32>
        %gather3A_383 = vector.shape_cast %broadcast_in_dim3A_382 : vector<16x1xi32> to vector<16xi32>
        %gather3A_384 = tpu.dynamic_gather %add3A_374[%gather3A_383] in [0] : vector<16xf32>, vector<16xi32> -> vector<16xf32>
        %add3A_385 = arith.addf %add3A_374, %gather3A_384 : vector<16xf32>
        %lt3A_386 = arith.constant 0 : i32
        %lt3A_387 = vector.broadcast %lt3A_386 : i32 to vector<16xi32>
        %lt3A_388 = arith.cmpi slt, %xor3A_80, %lt3A_387 : vector<16xi32>
        %add3A_389 = arith.constant 16 : i32
        %add3A_390 = vector.broadcast %add3A_389 : i32 to vector<16xi32>
        %add3A_391 = arith.addi %xor3A_80, %add3A_390 : vector<16xi32>
        %select_n3A_392 = arith.select %lt3A_388, %add3A_391, %xor3A_80 : vector<16xi1>, vector<16xi32>
        %broadcast_in_dim3A_393 = vector.shape_cast %select_n3A_392 : vector<16xi32> to vector<16x1xi32>
        %gather3A_394 = vector.shape_cast %broadcast_in_dim3A_393 : vector<16x1xi32> to vector<16xi32>
        %gather3A_395 = tpu.dynamic_gather %add3A_385[%gather3A_394] in [0] : vector<16xf32>, vector<16xi32> -> vector<16xf32>
        %add3A_396 = arith.addf %add3A_385, %gather3A_395 : vector<16xf32>
        %lt3A_397 = arith.constant 0 : i32
        %lt3A_398 = vector.broadcast %lt3A_397 : i32 to vector<16xi32>
        %lt3A_399 = arith.cmpi slt, %xor3A_83, %lt3A_398 : vector<16xi32>
        %add3A_400 = arith.constant 16 : i32
        %add3A_401 = vector.broadcast %add3A_400 : i32 to vector<16xi32>
        %add3A_402 = arith.addi %xor3A_83, %add3A_401 : vector<16xi32>
        %select_n3A_403 = arith.select %lt3A_399, %add3A_402, %xor3A_83 : vector<16xi1>, vector<16xi32>
        %broadcast_in_dim3A_404 = vector.shape_cast %select_n3A_403 : vector<16xi32> to vector<16x1xi32>
        %gather3A_405 = vector.shape_cast %broadcast_in_dim3A_404 : vector<16x1xi32> to vector<16xi32>
        %gather3A_406 = tpu.dynamic_gather %add3A_396[%gather3A_405] in [0] : vector<16xf32>, vector<16xi32> -> vector<16xf32>
        %add3A_407 = arith.addf %add3A_396, %gather3A_406 : vector<16xf32>
        %lt3A_408 = arith.constant 0 : i32
        %lt3A_409 = vector.broadcast %lt3A_408 : i32 to vector<16xi32>
        %lt3A_410 = arith.cmpi slt, %xor3A_86, %lt3A_409 : vector<16xi32>
        %add3A_411 = arith.constant 16 : i32
        %add3A_412 = vector.broadcast %add3A_411 : i32 to vector<16xi32>
        %add3A_413 = arith.addi %xor3A_86, %add3A_412 : vector<16xi32>
        %select_n3A_414 = arith.select %lt3A_410, %add3A_413, %xor3A_86 : vector<16xi1>, vector<16xi32>
        %broadcast_in_dim3A_415 = vector.shape_cast %select_n3A_414 : vector<16xi32> to vector<16x1xi32>
        %gather3A_416 = vector.shape_cast %broadcast_in_dim3A_415 : vector<16x1xi32> to vector<16xi32>
        %gather3A_417 = tpu.dynamic_gather %add3A_407[%gather3A_416] in [0] : vector<16xf32>, vector<16xi32> -> vector<16xf32>
        %add3A_418 = arith.addf %add3A_407, %gather3A_417 : vector<16xf32>
        %mul3A_419 = arith.constant 7.812500e-03 : f32
        %mul3A_420 = vector.broadcast %mul3A_419 : f32 to vector<16xf32>
        %mul3A_421 = arith.mulf %add3A_418, %mul3A_420 : vector<16xf32>
        %sub3A_422 = arith.subf %get3A_346, %mul3A_421 : vector<16xf32>
        %sub3A_423 = arith.subf %get3A_349, %mul3A_421 : vector<16xf32>
        %sub3A_424 = arith.subf %get3A_352, %mul3A_421 : vector<16xf32>
        %sub3A_425 = arith.subf %get3A_355, %mul3A_421 : vector<16xf32>
        %sub3A_426 = arith.subf %get3A_358, %mul3A_421 : vector<16xf32>
        %sub3A_427 = arith.subf %get3A_361, %mul3A_421 : vector<16xf32>
        %sub3A_428 = arith.subf %get3A_364, %mul3A_421 : vector<16xf32>
        %sub3A_429 = arith.subf %get3A_367, %mul3A_421 : vector<16xf32>
        %mul3A_430 = arith.mulf %sub3A_422, %sub3A_422 : vector<16xf32>
        %mul3A_431 = arith.mulf %sub3A_423, %sub3A_423 : vector<16xf32>
        %add3A_432 = arith.addf %mul3A_430, %mul3A_431 : vector<16xf32>
        %mul3A_433 = arith.mulf %sub3A_424, %sub3A_424 : vector<16xf32>
        %add3A_434 = arith.addf %add3A_432, %mul3A_433 : vector<16xf32>
        %mul3A_435 = arith.mulf %sub3A_425, %sub3A_425 : vector<16xf32>
        %add3A_436 = arith.addf %add3A_434, %mul3A_435 : vector<16xf32>
        %mul3A_437 = arith.mulf %sub3A_426, %sub3A_426 : vector<16xf32>
        %add3A_438 = arith.addf %add3A_436, %mul3A_437 : vector<16xf32>
        %mul3A_439 = arith.mulf %sub3A_427, %sub3A_427 : vector<16xf32>
        %add3A_440 = arith.addf %add3A_438, %mul3A_439 : vector<16xf32>
        %mul3A_441 = arith.mulf %sub3A_428, %sub3A_428 : vector<16xf32>
        %add3A_442 = arith.addf %add3A_440, %mul3A_441 : vector<16xf32>
        %mul3A_443 = arith.mulf %sub3A_429, %sub3A_429 : vector<16xf32>
        %add3A_444 = arith.addf %add3A_442, %mul3A_443 : vector<16xf32>
        %lt3A_445 = arith.constant 0 : i32
        %lt3A_446 = vector.broadcast %lt3A_445 : i32 to vector<16xi32>
        %lt3A_447 = arith.cmpi slt, %xor3A_77, %lt3A_446 : vector<16xi32>
        %add3A_448 = arith.constant 16 : i32
        %add3A_449 = vector.broadcast %add3A_448 : i32 to vector<16xi32>
        %add3A_450 = arith.addi %xor3A_77, %add3A_449 : vector<16xi32>
        %select_n3A_451 = arith.select %lt3A_447, %add3A_450, %xor3A_77 : vector<16xi1>, vector<16xi32>
        %broadcast_in_dim3A_452 = vector.shape_cast %select_n3A_451 : vector<16xi32> to vector<16x1xi32>
        %gather3A_453 = vector.shape_cast %broadcast_in_dim3A_452 : vector<16x1xi32> to vector<16xi32>
        %gather3A_454 = tpu.dynamic_gather %add3A_444[%gather3A_453] in [0] : vector<16xf32>, vector<16xi32> -> vector<16xf32>
        %add3A_455 = arith.addf %add3A_444, %gather3A_454 : vector<16xf32>
        %lt3A_456 = arith.constant 0 : i32
        %lt3A_457 = vector.broadcast %lt3A_456 : i32 to vector<16xi32>
        %lt3A_458 = arith.cmpi slt, %xor3A_80, %lt3A_457 : vector<16xi32>
        %add3A_459 = arith.constant 16 : i32
        %add3A_460 = vector.broadcast %add3A_459 : i32 to vector<16xi32>
        %add3A_461 = arith.addi %xor3A_80, %add3A_460 : vector<16xi32>
        %select_n3A_462 = arith.select %lt3A_458, %add3A_461, %xor3A_80 : vector<16xi1>, vector<16xi32>
        %broadcast_in_dim3A_463 = vector.shape_cast %select_n3A_462 : vector<16xi32> to vector<16x1xi32>
        %gather3A_464 = vector.shape_cast %broadcast_in_dim3A_463 : vector<16x1xi32> to vector<16xi32>
        %gather3A_465 = tpu.dynamic_gather %add3A_455[%gather3A_464] in [0] : vector<16xf32>, vector<16xi32> -> vector<16xf32>
        %add3A_466 = arith.addf %add3A_455, %gather3A_465 : vector<16xf32>
        %lt3A_467 = arith.constant 0 : i32
        %lt3A_468 = vector.broadcast %lt3A_467 : i32 to vector<16xi32>
        %lt3A_469 = arith.cmpi slt, %xor3A_83, %lt3A_468 : vector<16xi32>
        %add3A_470 = arith.constant 16 : i32
        %add3A_471 = vector.broadcast %add3A_470 : i32 to vector<16xi32>
        %add3A_472 = arith.addi %xor3A_83, %add3A_471 : vector<16xi32>
        %select_n3A_473 = arith.select %lt3A_469, %add3A_472, %xor3A_83 : vector<16xi1>, vector<16xi32>
        %broadcast_in_dim3A_474 = vector.shape_cast %select_n3A_473 : vector<16xi32> to vector<16x1xi32>
        %gather3A_475 = vector.shape_cast %broadcast_in_dim3A_474 : vector<16x1xi32> to vector<16xi32>
        %gather3A_476 = tpu.dynamic_gather %add3A_466[%gather3A_475] in [0] : vector<16xf32>, vector<16xi32> -> vector<16xf32>
        %add3A_477 = arith.addf %add3A_466, %gather3A_476 : vector<16xf32>
        %lt3A_478 = arith.constant 0 : i32
        %lt3A_479 = vector.broadcast %lt3A_478 : i32 to vector<16xi32>
        %lt3A_480 = arith.cmpi slt, %xor3A_86, %lt3A_479 : vector<16xi32>
        %add3A_481 = arith.constant 16 : i32
        %add3A_482 = vector.broadcast %add3A_481 : i32 to vector<16xi32>
        %add3A_483 = arith.addi %xor3A_86, %add3A_482 : vector<16xi32>
        %select_n3A_484 = arith.select %lt3A_480, %add3A_483, %xor3A_86 : vector<16xi1>, vector<16xi32>
        %broadcast_in_dim3A_485 = vector.shape_cast %select_n3A_484 : vector<16xi32> to vector<16x1xi32>
        %gather3A_486 = vector.shape_cast %broadcast_in_dim3A_485 : vector<16x1xi32> to vector<16xi32>
        %gather3A_487 = tpu.dynamic_gather %add3A_477[%gather3A_486] in [0] : vector<16xf32>, vector<16xi32> -> vector<16xf32>
        %add3A_488 = arith.addf %add3A_477, %gather3A_487 : vector<16xf32>
        %mul3A_489 = arith.constant 7.812500e-03 : f32
        %mul3A_490 = vector.broadcast %mul3A_489 : f32 to vector<16xf32>
        %mul3A_491 = arith.mulf %add3A_488, %mul3A_490 : vector<16xf32>
        %add3A_492 = arith.constant 9.99999974E-6 : f32
        %add3A_493 = vector.broadcast %add3A_492 : f32 to vector<16xf32>
        %add3A_494 = arith.addf %mul3A_491, %add3A_493 : vector<16xf32>
        %bitcast3A_495 = vector.bitcast %add3A_494 : vector<16xf32> to vector<16xi32>
        %shift_right_arithmetic3A_496 = arith.constant 1 : i32
        %shift_right_arithmetic3A_497 = vector.broadcast %shift_right_arithmetic3A_496 : i32 to vector<16xi32>
        %shift_right_arithmetic3A_498 = arith.shrsi %bitcast3A_495, %shift_right_arithmetic3A_497 : vector<16xi32>
        %sub3A_499 = arith.constant 1597463007 : i32
        %sub3A_500 = vector.broadcast %sub3A_499 : i32 to vector<16xi32>
        %sub3A_501 = arith.subi %sub3A_500, %shift_right_arithmetic3A_498 : vector<16xi32>
        %bitcast3A_502 = vector.bitcast %sub3A_501 : vector<16xi32> to vector<16xf32>
        %mul3A_503 = arith.constant 5.000000e-01 : f32
        %mul3A_504 = vector.broadcast %mul3A_503 : f32 to vector<16xf32>
        %mul3A_505 = arith.mulf %mul3A_504, %add3A_494 : vector<16xf32>
        %mul3A_506 = arith.mulf %mul3A_505, %bitcast3A_502 : vector<16xf32>
        %mul3A_507 = arith.mulf %mul3A_506, %bitcast3A_502 : vector<16xf32>
        %sub3A_508 = arith.constant 1.500000e+00 : f32
        %sub3A_509 = vector.broadcast %sub3A_508 : f32 to vector<16xf32>
        %sub3A_510 = arith.subf %sub3A_509, %mul3A_507 : vector<16xf32>
        %mul3A_511 = arith.mulf %bitcast3A_502, %sub3A_510 : vector<16xf32>
        %mul3A_512 = arith.constant 5.000000e-01 : f32
        %mul3A_513 = vector.broadcast %mul3A_512 : f32 to vector<16xf32>
        %mul3A_514 = arith.mulf %mul3A_513, %add3A_494 : vector<16xf32>
        %mul3A_515 = arith.mulf %mul3A_514, %mul3A_511 : vector<16xf32>
        %mul3A_516 = arith.mulf %mul3A_515, %mul3A_511 : vector<16xf32>
        %sub3A_517 = arith.constant 1.500000e+00 : f32
        %sub3A_518 = vector.broadcast %sub3A_517 : f32 to vector<16xf32>
        %sub3A_519 = arith.subf %sub3A_518, %mul3A_516 : vector<16xf32>
        %mul3A_520 = arith.mulf %mul3A_511, %sub3A_519 : vector<16xf32>
        %mul3A_521 = arith.constant 5.000000e-01 : f32
        %mul3A_522 = vector.broadcast %mul3A_521 : f32 to vector<16xf32>
        %mul3A_523 = arith.mulf %mul3A_522, %add3A_494 : vector<16xf32>
        %mul3A_524 = arith.mulf %mul3A_523, %mul3A_520 : vector<16xf32>
        %mul3A_525 = arith.mulf %mul3A_524, %mul3A_520 : vector<16xf32>
        %sub3A_526 = arith.constant 1.500000e+00 : f32
        %sub3A_527 = vector.broadcast %sub3A_526 : f32 to vector<16xf32>
        %sub3A_528 = arith.subf %sub3A_527, %mul3A_525 : vector<16xf32>
        %mul3A_529 = arith.mulf %mul3A_520, %sub3A_528 : vector<16xf32>
        %mul3A_530 = arith.mulf %sub3A_422, %mul3A_529 : vector<16xf32>
        %mul3A_531 = arith.mulf %mul3A_530, %get3A_15 : vector<16xf32>
        %add3A_532 = arith.addf %mul3A_531, %get3A_47 : vector<16xf32>
        %swap3A_533 = arith.index_cast %scan3A_343 : i32 to index
        %swap3A_534 = arith.constant 0 : index
        %swap3A_535 = tpu.vector_load %arg7[%swap3A_533, %swap3A_534] {strides = array<i32>} : memref<64x128xf32, #tpu.memory_space<vmem>>, vector<16xf32>,
        tpu.vector_store %arg7[%swap3A_533, %swap3A_534], %add3A_532 {strides = array<i32>} : memref<64x128xf32, #tpu.memory_space<vmem>>, vector<16xf32>,
        %mul3A_536 = arith.mulf %sub3A_423, %mul3A_529 : vector<16xf32>
        %mul3A_537 = arith.mulf %mul3A_536, %get3A_19 : vector<16xf32>
        %add3A_538 = arith.addf %mul3A_537, %get3A_51 : vector<16xf32>
        %swap3A_539 = arith.index_cast %scan3A_343 : i32 to index
        %swap3A_540 = arith.constant 16 : index
        %swap3A_541 = tpu.vector_load %arg7[%swap3A_539, %swap3A_540] {strides = array<i32>} : memref<64x128xf32, #tpu.memory_space<vmem>>, vector<16xf32>,
        tpu.vector_store %arg7[%swap3A_539, %swap3A_540], %add3A_538 {strides = array<i32>} : memref<64x128xf32, #tpu.memory_space<vmem>>, vector<16xf32>,
        %mul3A_542 = arith.mulf %sub3A_424, %mul3A_529 : vector<16xf32>
        %mul3A_543 = arith.mulf %mul3A_542, %get3A_23 : vector<16xf32>
        %add3A_544 = arith.addf %mul3A_543, %get3A_55 : vector<16xf32>
        %swap3A_545 = arith.index_cast %scan3A_343 : i32 to index
        %swap3A_546 = arith.constant 32 : index
        %swap3A_547 = tpu.vector_load %arg7[%swap3A_545, %swap3A_546] {strides = array<i32>} : memref<64x128xf32, #tpu.memory_space<vmem>>, vector<16xf32>,
        tpu.vector_store %arg7[%swap3A_545, %swap3A_546], %add3A_544 {strides = array<i32>} : memref<64x128xf32, #tpu.memory_space<vmem>>, vector<16xf32>,
        %mul3A_548 = arith.mulf %sub3A_425, %mul3A_529 : vector<16xf32>
        %mul3A_549 = arith.mulf %mul3A_548, %get3A_27 : vector<16xf32>
        %add3A_550 = arith.addf %mul3A_549, %get3A_59 : vector<16xf32>
        %swap3A_551 = arith.index_cast %scan3A_343 : i32 to index
        %swap3A_552 = arith.constant 48 : index
        %swap3A_553 = tpu.vector_load %arg7[%swap3A_551, %swap3A_552] {strides = array<i32>} : memref<64x128xf32, #tpu.memory_space<vmem>>, vector<16xf32>,
        tpu.vector_store %arg7[%swap3A_551, %swap3A_552], %add3A_550 {strides = array<i32>} : memref<64x128xf32, #tpu.memory_space<vmem>>, vector<16xf32>,
        %mul3A_554 = arith.mulf %sub3A_426, %mul3A_529 : vector<16xf32>
        %mul3A_555 = arith.mulf %mul3A_554, %get3A_31 : vector<16xf32>
        %add3A_556 = arith.addf %mul3A_555, %get3A_63 : vector<16xf32>
        %swap3A_557 = arith.index_cast %scan3A_343 : i32 to index
        %swap3A_558 = arith.constant 64 : index
        %swap3A_559 = tpu.vector_load %arg7[%swap3A_557, %swap3A_558] {strides = array<i32>} : memref<64x128xf32, #tpu.memory_space<vmem>>, vector<16xf32>,
        tpu.vector_store %arg7[%swap3A_557, %swap3A_558], %add3A_556 {strides = array<i32>} : memref<64x128xf32, #tpu.memory_space<vmem>>, vector<16xf32>,
        %mul3A_560 = arith.mulf %sub3A_427, %mul3A_529 : vector<16xf32>
        %mul3A_561 = arith.mulf %mul3A_560, %get3A_35 : vector<16xf32>
        %add3A_562 = arith.addf %mul3A_561, %get3A_67 : vector<16xf32>
        %swap3A_563 = arith.index_cast %scan3A_343 : i32 to index
        %swap3A_564 = arith.constant 80 : index
        %swap3A_565 = tpu.vector_load %arg7[%swap3A_563, %swap3A_564] {strides = array<i32>} : memref<64x128xf32, #tpu.memory_space<vmem>>, vector<16xf32>,
        tpu.vector_store %arg7[%swap3A_563, %swap3A_564], %add3A_562 {strides = array<i32>} : memref<64x128xf32, #tpu.memory_space<vmem>>, vector<16xf32>,
        %mul3A_566 = arith.mulf %sub3A_428, %mul3A_529 : vector<16xf32>
        %mul3A_567 = arith.mulf %mul3A_566, %get3A_39 : vector<16xf32>
        %add3A_568 = arith.addf %mul3A_567, %get3A_71 : vector<16xf32>
        %swap3A_569 = arith.index_cast %scan3A_343 : i32 to index
        %swap3A_570 = arith.constant 96 : index
        %swap3A_571 = tpu.vector_load %arg7[%swap3A_569, %swap3A_570] {strides = array<i32>} : memref<64x128xf32, #tpu.memory_space<vmem>>, vector<16xf32>,
        tpu.vector_store %arg7[%swap3A_569, %swap3A_570], %add3A_568 {strides = array<i32>} : memref<64x128xf32, #tpu.memory_space<vmem>>, vector<16xf32>,
        %mul3A_572 = arith.mulf %sub3A_429, %mul3A_529 : vector<16xf32>
        %mul3A_573 = arith.mulf %mul3A_572, %get3A_43 : vector<16xf32>
        %add3A_574 = arith.addf %mul3A_573, %get3A_75 : vector<16xf32>
        %swap3A_575 = arith.index_cast %scan3A_343 : i32 to index
        %swap3A_576 = arith.constant 112 : index
        %swap3A_577 = tpu.vector_load %arg7[%swap3A_575, %swap3A_576] {strides = array<i32>} : memref<64x128xf32, #tpu.memory_space<vmem>>, vector<16xf32>,
        tpu.vector_store %arg7[%swap3A_575, %swap3A_576], %add3A_574 {strides = array<i32>} : memref<64x128xf32, #tpu.memory_space<vmem>>, vector<16xf32>,
      }
      %scan3A_113 = arith.constant 64 : i32
      "tpu.region"() ({
        %run_scoped3A = tpu.sem_alloc : memref<!tpu.dma_semaphore, #tpu.memory_space<semaphore_mem>>
        %dma_start3A = arith.constant 0 : i32
        %dma_start3A_114 = arith.constant 0 : i32
        %dma_start3A_115 = tpu.memref_slice %arg11[%dma_start3A, %dma_start3A_114] : memref<8192x128xf32, #tpu.memory_space<vmem_shared>> -> memref<8192x128xf32, #tpu.memory_space<vmem_shared>>
        tpu.enqueue_indirect_dma source(%arg7 : memref<64x128xf32, #tpu.memory_space<vmem>>) target(%dma_start3A_115 : memref<8192x128xf32, #tpu.memory_space<vmem_shared>>) offsets(%arg8 : memref<64xi32, #tpu.memory_space<vmem>>) semaphore(%run_scoped3A : memref<!tpu.dma_semaphore, #tpu.memory_space<semaphore_mem>>) {add = true}
        %dma_wait3A = arith.constant 0 : i32
        %dma_wait3A_116 = arith.constant 0 : i32
        %dma_wait3A_117 = tpu.memref_slice %arg11[%dma_wait3A, %dma_wait3A_116] : memref<8192x128xf32, #tpu.memory_space<vmem_shared>> -> memref<8192x128xf32, #tpu.memory_space<vmem_shared>>
        tpu.wait_indirect_dma semaphore(%run_scoped3A : memref<!tpu.dma_semaphore, #tpu.memory_space<semaphore_mem>>) src(%arg7 : memref<64x128xf32, #tpu.memory_space<vmem>>) dst(%dma_wait3A_117 : memref<8192x128xf32, #tpu.memory_space<vmem_shared>>)
        tpu.yield
      }) : () -> ()
    }
    %scan3A_92 = arith.constant 48 : i32
    %barrier3A_93 = arith.constant 0 : index
    tpu.barrier barrier_id(%barrier3A_93)
    %scan3A_94 = arith.constant 0 : i32
    %scan3A_95 = arith.constant 0 : i32
    %scan3A_96 = arith.constant 8 : i32
    %scan3A_97 = arith.addi %scan3A_95, %scan3A_96 : i32
    %scan3A_98 = arith.constant 1 : i32
    scf.for %scan3A_100 = %scan3A_95 to %scan3A_97 step %scan3A_98  : i32 {
      %mul3A_101 = arith.constant 512 : i32
      %mul3A_102 = arith.muli %arg1, %mul3A_101 : i32
      %mul3A_103 = arith.constant 64 : i32
      %mul3A_104 = arith.muli %scan3A_100, %mul3A_103 : i32
      %add3A_105 = arith.addi %mul3A_102, %mul3A_104 : i32
      "tpu.region"() ({
        %run_scoped3A = tpu.sem_alloc : memref<!tpu.dma_semaphore, #tpu.memory_space<semaphore_mem>>
        %dma_start3A = arith.constant 0 : i32
        %dma_start3A_114 = tpu.memref_slice %arg11[%add3A_105, %dma_start3A] : memref<8192x128xf32, #tpu.memory_space<vmem_shared>> -> memref<64x128xf32, #tpu.memory_space<vmem_shared>>
        %dma_start3A_115 = arith.constant 0 : i32
        %dma_start3A_116 = tpu.memref_slice %arg11[%add3A_105, %dma_start3A_115] : memref<8192x128xf32, #tpu.memory_space<vmem_shared>> -> memref<64x128xf32, #tpu.memory_space<vmem_shared>>
        tpu.enqueue_dma source(%dma_start3A_116 : memref<64x128xf32, #tpu.memory_space<vmem_shared>>) target(%arg7 : memref<64x128xf32, #tpu.memory_space<vmem>>) target_semaphore(%run_scoped3A : memref<!tpu.dma_semaphore, #tpu.memory_space<semaphore_mem>>)
        %dma_wait3A = arith.constant 0 : i32
        %dma_wait3A_117 = tpu.memref_slice %arg11[%add3A_105, %dma_wait3A] : memref<8192x128xf32, #tpu.memory_space<vmem_shared>> -> memref<64x128xf32, #tpu.memory_space<vmem_shared>>
        %dma_wait3A_118 = arith.constant 0 : i32
        %dma_wait3A_119 = tpu.memref_slice %arg11[%add3A_105, %dma_wait3A_118] : memref<8192x128xf32, #tpu.memory_space<vmem_shared>> -> memref<64x128xf32, #tpu.memory_space<vmem_shared>>
        tpu.wait_dma2 semaphore(%run_scoped3A : memref<!tpu.dma_semaphore, #tpu.memory_space<semaphore_mem>>) src(%dma_wait3A_119 : memref<64x128xf32, #tpu.memory_space<vmem_shared>>) dst(%arg7 : memref<64x128xf32, #tpu.memory_space<vmem>>)
        tpu.yield
      }) : () -> ()
      %mul3A_106 = arith.constant 8192 : i32
      %mul3A_107 = arith.muli %arg0, %mul3A_106 : i32
      %mul3A_108 = arith.constant 512 : i32
      %mul3A_109 = arith.muli %arg1, %mul3A_108 : i32
      %add3A_110 = arith.addi %mul3A_107, %mul3A_109 : i32
      %mul3A_111 = arith.constant 64 : i32
      %mul3A_112 = arith.muli %scan3A_100, %mul3A_111 : i32
      %add3A_113 = arith.addi %add3A_110, %mul3A_112 : i32
      "tpu.region"() ({
        %run_scoped3A = tpu.sem_alloc : memref<!tpu.dma_semaphore, #tpu.memory_space<semaphore_mem>>
        %dma_start3A = arith.constant 0 : i32
        %dma_start3A_114 = tpu.memref_slice %arg6[%add3A_113, %dma_start3A] : memref<16384x128xf32, #tpu.memory_space<hbm>> -> memref<64x128xf32, #tpu.memory_space<hbm>>
        %dma_start3A_115 = arith.constant 0 : i32
        %dma_start3A_116 = tpu.memref_slice %arg6[%add3A_113, %dma_start3A_115] : memref<16384x128xf32, #tpu.memory_space<hbm>> -> memref<64x128xf32, #tpu.memory_space<hbm>>
        tpu.enqueue_dma source(%arg7 : memref<64x128xf32, #tpu.memory_space<vmem>>) target(%dma_start3A_116 : memref<64x128xf32, #tpu.memory_space<hbm>>) target_semaphore(%run_scoped3A : memref<!tpu.dma_semaphore, #tpu.memory_space<semaphore_mem>>)
        %dma_wait3A = arith.constant 0 : i32
        %dma_wait3A_117 = tpu.memref_slice %arg6[%add3A_113, %dma_wait3A] : memref<16384x128xf32, #tpu.memory_space<hbm>> -> memref<64x128xf32, #tpu.memory_space<hbm>>
        %dma_wait3A_118 = arith.constant 0 : i32
        %dma_wait3A_119 = tpu.memref_slice %arg6[%add3A_113, %dma_wait3A_118] : memref<16384x128xf32, #tpu.memory_space<hbm>> -> memref<64x128xf32, #tpu.memory_space<hbm>>
        tpu.wait_dma2 semaphore(%run_scoped3A : memref<!tpu.dma_semaphore, #tpu.memory_space<semaphore_mem>>) src(%arg7 : memref<64x128xf32, #tpu.memory_space<vmem>>) dst(%dma_wait3A_119 : memref<64x128xf32, #tpu.memory_space<hbm>>)
        tpu.yield
      }) : () -> ()
    }
    %scan3A_99 = arith.constant 8 : i32
    return
  }
}

module attributes {stable_mosaic.version = 14 : i64} {
  func.func @_tc_body(%arg0: i32, %arg1: memref<1x1x2048xi32, #tpu.memory_space<vmem>>, %arg2: memref<2048x128xf32, #tpu.memory_space<vmem>>, %arg3: memref<1x128xf32, #tpu.memory_space<vmem>>, %arg4: memref<1x128xf32, #tpu.memory_space<vmem>>, %arg5: memref<8192x128xf32, #tpu.memory_space<vmem>>, %arg6: memref<8192x128xf32, #tpu.memory_space<vmem>>) attributes {dimension_semantics = [#tpu.dimension_semantics<arbitrary>], iteration_bounds = array<i64: 80>, scalar_prefetch = 0 : i64, scratch_operands = 1 : i64, tpu.core_type = #tpu.core_type<tc>, window_params = [{transform_indices = @transform_0, window_bounds = array<i64: 1, 1, 2048>}, {transform_indices = @transform_1, window_bounds = array<i64: 2048, 128>}, {pipeline_mode = #tpu.pipeline_mode<synchronous>, transform_indices = @transform_2, window_bounds = array<i64: 1, 128>}, {pipeline_mode = #tpu.pipeline_mode<synchronous>, transform_indices = @transform_3, window_bounds = array<i64: 1, 128>}, {pipeline_mode = #tpu.pipeline_mode<synchronous>, transform_indices = @transform_4, window_bounds = array<i64: 8192, 128>}]} {
    %eq3A = arith.constant 0 : i32
    %eq3A_0 = arith.cmpi eq, %arg0, %eq3A : i32
    %convert_element_type3A = arith.extui %eq3A_0 : i1 to i32
    %cond3A = arith.constant 0 : i32
    %cond3A_1 = arith.cmpi ne, %convert_element_type3A, %cond3A : i32
    scf.if %cond3A_1 {
      %broadcast_in_dim3A_103 = arith.constant 0.000000e+00 : f32
      %broadcast_in_dim3A_104 = vector.broadcast %broadcast_in_dim3A_103 : f32 to vector<8192x128xf32>
      %swap3A = arith.constant 0 : index
      %swap3A_105 = arith.constant 0 : index
      %swap3A_106 = vector.load %arg6[%swap3A, %swap3A_105] : memref<8192x128xf32, #tpu.memory_space<vmem>>, vector<8192x128xf32>
      tpu.vector_store %arg6[%swap3A, %swap3A_105], %broadcast_in_dim3A_104 {strides = array<i32>} : memref<8192x128xf32, #tpu.memory_space<vmem>>, vector<8192x128xf32>,
    } else {
    }
    %get3A = arith.constant 0 : index
    %get3A_2 = arith.constant 0 : index
    %get3A_3 = vector.load %arg2[%get3A, %get3A_2] : memref<2048x128xf32, #tpu.memory_space<vmem>>, vector<2048x128xf32>
    %reduce_sum3A = arith.constant dense<0.000000e+00> : vector<2048xf32>
    %reduce_sum3A_4 = vector.multi_reduction <add>, %get3A_3, %reduce_sum3A [1] : vector<2048x128xf32> to vector<2048xf32>
    %broadcast_in_dim3A = vector.shape_cast %reduce_sum3A_4 : vector<2048xf32> to vector<2048x1xf32>
    %div3A = arith.constant 1.280000e+02 : f32
    %div3A_5 = vector.broadcast %div3A : f32 to vector<2048x1xf32>
    %div3A_6 = arith.divf %broadcast_in_dim3A, %div3A_5 : vector<2048x1xf32>
    %sub3A = vector.broadcast %div3A_6 : vector<2048x1xf32> to vector<2048x128xf32>
    %sub3A_7 = arith.subf %get3A_3, %sub3A : vector<2048x128xf32>
    %mul3A = arith.mulf %sub3A_7, %sub3A_7 : vector<2048x128xf32>
    %reduce_sum3A_8 = arith.constant dense<0.000000e+00> : vector<2048xf32>
    %reduce_sum3A_9 = vector.multi_reduction <add>, %mul3A, %reduce_sum3A_8 [1] : vector<2048x128xf32> to vector<2048xf32>
    %broadcast_in_dim3A_10 = vector.shape_cast %reduce_sum3A_9 : vector<2048xf32> to vector<2048x1xf32>
    %div3A_11 = arith.constant 1.280000e+02 : f32
    %div3A_12 = vector.broadcast %div3A_11 : f32 to vector<2048x1xf32>
    %div3A_13 = arith.divf %broadcast_in_dim3A_10, %div3A_12 : vector<2048x1xf32>
    %add3A = arith.constant 9.99999974E-6 : f32
    %add3A_14 = vector.broadcast %add3A : f32 to vector<2048x1xf32>
    %add3A_15 = arith.addf %div3A_13, %add3A_14 : vector<2048x1xf32>
    %rsqrt3A = math.rsqrt %add3A_15 : vector<2048x1xf32>
    %mul3A_16 = vector.broadcast %rsqrt3A : vector<2048x1xf32> to vector<2048x128xf32>
    %mul3A_17 = arith.mulf %sub3A_7, %mul3A_16 : vector<2048x128xf32>
    %get3A_18 = arith.constant 0 : index
    %get3A_19 = arith.constant 0 : index
    %get3A_20 = vector.load %arg3[%get3A_18, %get3A_19] : memref<1x128xf32, #tpu.memory_space<vmem>>, vector<1x128xf32>
    %mul3A_21 = vector.broadcast %get3A_20 : vector<1x128xf32> to vector<2048x128xf32>
    %mul3A_22 = arith.mulf %mul3A_17, %mul3A_21 : vector<2048x128xf32>
    %get3A_23 = arith.constant 0 : index
    %get3A_24 = arith.constant 0 : index
    %get3A_25 = vector.load %arg4[%get3A_23, %get3A_24] : memref<1x128xf32, #tpu.memory_space<vmem>>, vector<1x128xf32>
    %add3A_26 = vector.broadcast %get3A_25 : vector<1x128xf32> to vector<2048x128xf32>
    %add3A_27 = arith.addf %mul3A_22, %add3A_26 : vector<2048x128xf32>
    %convert_element_type3A_28 = arith.truncf %add3A_27 : vector<2048x128xf32> to vector<2048x128xbf16>
    %get3A_29 = arith.constant 0 : index
    %get3A_30 = arith.constant 0 : index
    %get3A_31 = arith.constant 0 : index
    %get3A_32 = vector.load %arg1[%get3A_29, %get3A_30, %get3A_31] : memref<1x1x2048xi32, #tpu.memory_space<vmem>>, vector<1x1x2048xi32>
    %get3A_33 = vector.shape_cast %get3A_32 : vector<1x1x2048xi32> to vector<1x2048xi32>
    %get3A_34 = arith.constant 0 : index
    %get3A_35 = arith.constant 0 : index
    %get3A_36 = arith.constant 0 : index
    %get3A_37 = vector.load %arg1[%get3A_34, %get3A_35, %get3A_36] : memref<1x1x2048xi32, #tpu.memory_space<vmem>>, vector<1x1x1xi32>
    %get3A_38 = vector.extract %get3A_37[0, 0, 0] : i32 from vector<1x1x1xi32>
    %get3A_39 = arith.constant 0 : index
    %get3A_40 = arith.constant 0 : index
    %get3A_41 = arith.constant 2047 : index
    %get3A_42 = vector.load %arg1[%get3A_39, %get3A_40, %get3A_41] : memref<1x1x2048xi32, #tpu.memory_space<vmem>>, vector<1x1x1xi32>
    %get3A_43 = vector.extract %get3A_42[0, 0, 0] : i32 from vector<1x1x1xi32>
    %jit3A = arith.constant 128 : i32
    %div3A_44 = arith.divsi %get3A_38, %jit3A : i32
    %sign3A = arith.constant 0 : i32
    %sign3A_45 = arith.cmpi sgt, %get3A_38, %sign3A : i32
    %sign3A_46 = arith.extui %sign3A_45 : i1 to i32
    %sign3A_47 = arith.constant 0 : i32
    %sign3A_48 = arith.cmpi slt, %get3A_38, %sign3A_47 : i32
    %sign3A_49 = arith.extui %sign3A_48 : i1 to i32
    %sign3A_50 = arith.subi %sign3A_46, %sign3A_49 : i32
    %sign3A_51 = arith.constant 0 : i32
    %sign3A_52 = arith.cmpi sgt, %jit3A, %sign3A_51 : i32
    %sign3A_53 = arith.extui %sign3A_52 : i1 to i32
    %sign3A_54 = arith.constant 0 : i32
    %sign3A_55 = arith.cmpi slt, %jit3A, %sign3A_54 : i32
    %sign3A_56 = arith.extui %sign3A_55 : i1 to i32
    %sign3A_57 = arith.subi %sign3A_53, %sign3A_56 : i32
    %ne3A = arith.cmpi ne, %sign3A_50, %sign3A_57 : i32
    %rem3A = arith.remsi %get3A_38, %jit3A : i32
    %ne3A_58 = arith.constant 0 : i32
    %ne3A_59 = arith.cmpi ne, %rem3A, %ne3A_58 : i32
    %and3A = arith.andi %ne3A, %ne3A_59 : i1
    %sub3A_60 = arith.constant 1 : i32
    %sub3A_61 = arith.subi %div3A_44, %sub3A_60 : i32
    %select_n3A = arith.select %and3A, %sub3A_61, %div3A_44 : i32
    %jit3A_62 = arith.constant 128 : i32
    %div3A_63 = arith.divsi %get3A_43, %jit3A_62 : i32
    %sign3A_64 = arith.constant 0 : i32
    %sign3A_65 = arith.cmpi sgt, %get3A_43, %sign3A_64 : i32
    %sign3A_66 = arith.extui %sign3A_65 : i1 to i32
    %sign3A_67 = arith.constant 0 : i32
    %sign3A_68 = arith.cmpi slt, %get3A_43, %sign3A_67 : i32
    %sign3A_69 = arith.extui %sign3A_68 : i1 to i32
    %sign3A_70 = arith.subi %sign3A_66, %sign3A_69 : i32
    %sign3A_71 = arith.constant 0 : i32
    %sign3A_72 = arith.cmpi sgt, %jit3A_62, %sign3A_71 : i32
    %sign3A_73 = arith.extui %sign3A_72 : i1 to i32
    %sign3A_74 = arith.constant 0 : i32
    %sign3A_75 = arith.cmpi slt, %jit3A_62, %sign3A_74 : i32
    %sign3A_76 = arith.extui %sign3A_75 : i1 to i32
    %sign3A_77 = arith.subi %sign3A_73, %sign3A_76 : i32
    %ne3A_78 = arith.cmpi ne, %sign3A_70, %sign3A_77 : i32
    %rem3A_79 = arith.remsi %get3A_43, %jit3A_62 : i32
    %ne3A_80 = arith.constant 0 : i32
    %ne3A_81 = arith.cmpi ne, %rem3A_79, %ne3A_80 : i32
    %and3A_82 = arith.andi %ne3A_78, %ne3A_81 : i1
    %sub3A_83 = arith.constant 1 : i32
    %sub3A_84 = arith.subi %div3A_63, %sub3A_83 : i32
    %select_n3A_85 = arith.select %and3A_82, %sub3A_84, %div3A_63 : i32
    %sub3A_86 = arith.subi %select_n3A_85, %select_n3A : i32
    %add3A_87 = arith.constant 1 : i32
    %add3A_88 = arith.addi %sub3A_86, %add3A_87 : i32
    %while3A = arith.constant 0 : i32
    %while3A_89 = arith.constant 0 : i32
    %while3A_90 = arith.subi %add3A_88, %while3A_89 : i32
    %while3A_91 = arith.addi %while3A_89, %while3A_90 : i32
    %while3A_92 = arith.constant 1 : i32
    %while3A_93 = arith.divsi %while3A_90, %while3A_92 : i32
    %while3A_94 = arith.muli %while3A_93, %while3A_92 : i32
    %while3A_95 = arith.addi %while3A_89, %while3A_94 : i32
    %while3A_96 = arith.constant 1 : i32
    scf.for %while3A_103 = %while3A_89 to %while3A_95 step %while3A_96  : i32 {
      %add3A_104 = arith.addi %select_n3A, %while3A_103 : i32
      %mul3A_105 = arith.constant 128 : i32
      %mul3A_106 = arith.muli %add3A_104, %mul3A_105 : i32
      %iota3A = tpu.iota {dimensions = array<i32: 0>} : vector<128x1xi32>
      %add3A_107 = vector.broadcast %mul3A_106 : i32 to vector<128x1xi32>
      %add3A_108 = arith.addi %add3A_107, %iota3A : vector<128x1xi32>
      %eq3A_109 = vector.broadcast %add3A_108 : vector<128x1xi32> to vector<128x2048xi32>
      %eq3A_110 = vector.broadcast %get3A_33 : vector<1x2048xi32> to vector<128x2048xi32>
      %eq3A_111 = arith.cmpi eq, %eq3A_109, %eq3A_110 : vector<128x2048xi32>
      %convert_element_type3A_112 = arith.extui %eq3A_111 : vector<128x2048xi1> to vector<128x2048xi32>
      %convert_element_type3A_113 = arith.sitofp %convert_element_type3A_112 : vector<128x2048xi32> to vector<128x2048xf32>
      %convert_element_type3A_114 = arith.truncf %convert_element_type3A_113 : vector<128x2048xf32> to vector<128x2048xbf16>
      %dot_general3A = arith.constant dense<0.000000e+00> : vector<128x128xf32>
      %dot_general3A_115 = tpu.matmul %convert_element_type3A_114, %convert_element_type3A_28, %dot_general3A {dimension_numbers = #tpu.dot_dimension_numbers<[1], [0], [0], [1], [0, 0, 1, 1], [], []>, transpose_lhs_hint = false} : vector<128x2048xbf16>, vector<2048x128xbf16>, vector<128x128xf32> -> vector<128x128xf32>
      %get3A_116 = arith.index_cast %mul3A_106 : i32 to index
      %get3A_117 = arith.constant 0 : index
      %get3A_118 = vector.load %arg6[%get3A_116, %get3A_117] : memref<8192x128xf32, #tpu.memory_space<vmem>>, vector<128x128xf32>
      %add3A_119 = arith.addf %get3A_118, %dot_general3A_115 : vector<128x128xf32>
      %swap3A = arith.index_cast %mul3A_106 : i32 to index
      %swap3A_120 = arith.constant 0 : index
      %swap3A_121 = vector.load %arg6[%swap3A, %swap3A_120] : memref<8192x128xf32, #tpu.memory_space<vmem>>, vector<128x128xf32>
      tpu.vector_store %arg6[%swap3A, %swap3A_120], %add3A_119 {strides = array<i32>} : memref<8192x128xf32, #tpu.memory_space<vmem>>, vector<128x128xf32>,
    }
    %while3A_97 = arith.constant 1 : i32
    scf.for %while3A_103 = %while3A_95 to %while3A_91 step %while3A_97  : i32 {
      %add3A_104 = arith.addi %select_n3A, %while3A_103 : i32
      %mul3A_105 = arith.constant 128 : i32
      %mul3A_106 = arith.muli %add3A_104, %mul3A_105 : i32
      %iota3A = tpu.iota {dimensions = array<i32: 0>} : vector<128x1xi32>
      %add3A_107 = vector.broadcast %mul3A_106 : i32 to vector<128x1xi32>
      %add3A_108 = arith.addi %add3A_107, %iota3A : vector<128x1xi32>
      %eq3A_109 = vector.broadcast %add3A_108 : vector<128x1xi32> to vector<128x2048xi32>
      %eq3A_110 = vector.broadcast %get3A_33 : vector<1x2048xi32> to vector<128x2048xi32>
      %eq3A_111 = arith.cmpi eq, %eq3A_109, %eq3A_110 : vector<128x2048xi32>
      %convert_element_type3A_112 = arith.extui %eq3A_111 : vector<128x2048xi1> to vector<128x2048xi32>
      %convert_element_type3A_113 = arith.sitofp %convert_element_type3A_112 : vector<128x2048xi32> to vector<128x2048xf32>
      %convert_element_type3A_114 = arith.truncf %convert_element_type3A_113 : vector<128x2048xf32> to vector<128x2048xbf16>
      %dot_general3A = arith.constant dense<0.000000e+00> : vector<128x128xf32>
      %dot_general3A_115 = tpu.matmul %convert_element_type3A_114, %convert_element_type3A_28, %dot_general3A {dimension_numbers = #tpu.dot_dimension_numbers<[1], [0], [0], [1], [0, 0, 1, 1], [], []>, transpose_lhs_hint = false} : vector<128x2048xbf16>, vector<2048x128xbf16>, vector<128x128xf32> -> vector<128x128xf32>
      %get3A_116 = arith.index_cast %mul3A_106 : i32 to index
      %get3A_117 = arith.constant 0 : index
      %get3A_118 = vector.load %arg6[%get3A_116, %get3A_117] : memref<8192x128xf32, #tpu.memory_space<vmem>>, vector<128x128xf32>
      %add3A_119 = arith.addf %get3A_118, %dot_general3A_115 : vector<128x128xf32>
      %swap3A = arith.index_cast %mul3A_106 : i32 to index
      %swap3A_120 = arith.constant 0 : index
      %swap3A_121 = vector.load %arg6[%swap3A, %swap3A_120] : memref<8192x128xf32, #tpu.memory_space<vmem>>, vector<128x128xf32>
      tpu.vector_store %arg6[%swap3A, %swap3A_120], %add3A_119 {strides = array<i32>} : memref<8192x128xf32, #tpu.memory_space<vmem>>, vector<128x128xf32>,
    }
    %eq3A_98 = arith.constant 79 : i32
    %eq3A_99 = arith.cmpi eq, %arg0, %eq3A_98 : i32
    %convert_element_type3A_100 = arith.extui %eq3A_99 : i1 to i32
    %cond3A_101 = arith.constant 0 : i32
    %cond3A_102 = arith.cmpi ne, %convert_element_type3A_100, %cond3A_101 : i32
    scf.if %cond3A_102 {
      %get3A_103 = arith.constant 0 : index
      %get3A_104 = arith.constant 0 : index
      %get3A_105 = vector.load %arg6[%get3A_103, %get3A_104] : memref<8192x128xf32, #tpu.memory_space<vmem>>, vector<8192x128xf32>
      %swap3A = arith.constant 0 : index
      %swap3A_106 = arith.constant 0 : index
      %swap3A_107 = vector.load %arg5[%swap3A, %swap3A_106] : memref<8192x128xf32, #tpu.memory_space<vmem>>, vector<8192x128xf32>
      tpu.vector_store %arg5[%swap3A, %swap3A_106], %get3A_105 {strides = array<i32>} : memref<8192x128xf32, #tpu.memory_space<vmem>>, vector<8192x128xf32>,
    } else {
    }
    return
  }
  func.func @transform_0(%arg0: i32) -> (i32, i32, i32) {
    %c0_i32 = arith.constant 0 : i32
    %c0_i32_0 = arith.constant 0 : i32
    %c0_i32_1 = arith.constant 0 : i32
    return %arg0, %c0_i32, %c0_i32_0 : i32, i32, i32
  }
  func.func @transform_1(%arg0: i32) -> (i32, i32) {
    %c0_i32 = arith.constant 0 : i32
    %c0_i32_0 = arith.constant 0 : i32
    return %arg0, %c0_i32 : i32, i32
  }
  func.func @transform_2(%arg0: i32) -> (i32, i32) {
    %c0_i32 = arith.constant 0 : i32
    %c0_i32_0 = arith.constant 0 : i32
    %c0_i32_1 = arith.constant 0 : i32
    return %c0_i32, %c0_i32_0 : i32, i32
  }
  func.func @transform_3(%arg0: i32) -> (i32, i32) {
    %c0_i32 = arith.constant 0 : i32
    %c0_i32_0 = arith.constant 0 : i32
    %c0_i32_1 = arith.constant 0 : i32
    return %c0_i32, %c0_i32_0 : i32, i32
  }
  func.func @transform_4(%arg0: i32) -> (i32, i32) {
    %c0_i32 = arith.constant 0 : i32
    %c0_i32_0 = arith.constant 0 : i32
    %c0_i32_1 = arith.constant 0 : i32
    return %c0_i32, %c0_i32_0 : i32, i32
  }
}

module attributes {stable_mosaic.version = 14 : i64} {
  func.func @_epi_body(%arg0: i32, %arg1: i32, %arg2: memref<1x1x1x2048xi32, #tpu.memory_space<vmem>>, %arg3: memref<3x1x4096x128xf32, #tpu.memory_space<vmem>>, %arg4: memref<128x128xf32, #tpu.memory_space<vmem>>, %arg5: memref<128x128xf32, #tpu.memory_space<vmem>>, %arg6: memref<1x128xf32, #tpu.memory_space<vmem>>, %arg7: memref<1x4096x128xf32, #tpu.memory_space<vmem>>, %arg8: memref<4096x1xf32, #tpu.memory_space<vmem>>) attributes {dimension_semantics = [#tpu.dimension_semantics<arbitrary>, #tpu.dimension_semantics<arbitrary>], iteration_bounds = array<i64: 2, 64>, scalar_prefetch = 0 : i64, scratch_operands = 1 : i64, tpu.core_type = #tpu.core_type<tc>, window_params = [{transform_indices = @transform_0, window_bounds = array<i64: 1, 1, 1, 2048>}, {transform_indices = @transform_1, window_bounds = array<i64: 3, 1, 4096, 128>}, {pipeline_mode = #tpu.pipeline_mode<synchronous>, transform_indices = @transform_2, window_bounds = array<i64: 128, 128>}, {pipeline_mode = #tpu.pipeline_mode<synchronous>, transform_indices = @transform_3, window_bounds = array<i64: 128, 128>}, {pipeline_mode = #tpu.pipeline_mode<synchronous>, transform_indices = @transform_4, window_bounds = array<i64: 1, 128>}, {transform_indices = @transform_5, window_bounds = array<i64: 1, 4096, 128>}]} {
    %eq3A = arith.constant 0 : i32
    %eq3A_0 = arith.cmpi eq, %arg1, %eq3A : i32
    %convert_element_type3A = arith.extui %eq3A_0 : i1 to i32
    %cond3A = arith.constant 0 : i32
    %cond3A_1 = arith.cmpi ne, %convert_element_type3A, %cond3A : i32
    scf.if %cond3A_1 {
      %broadcast_in_dim3A = arith.constant 0.000000e+00 : f32
      %broadcast_in_dim3A_75 = vector.broadcast %broadcast_in_dim3A : f32 to vector<4096x1xf32>
      %swap3A = arith.constant 0 : index
      %swap3A_76 = arith.constant 0 : index
      %swap3A_77 = vector.load %arg8[%swap3A, %swap3A_76] : memref<4096x1xf32, #tpu.memory_space<vmem>>, vector<4096x1xf32>
      tpu.vector_store %arg8[%swap3A, %swap3A_76], %broadcast_in_dim3A_75 {strides = array<i32>} : memref<4096x1xf32, #tpu.memory_space<vmem>>, vector<4096x1xf32>,
    } else {
    }
    %get3A = arith.constant 0 : index
    %get3A_2 = arith.constant 0 : index
    %get3A_3 = arith.constant 0 : index
    %get3A_4 = arith.constant 0 : index
    %get3A_5 = vector.load %arg2[%get3A, %get3A_2, %get3A_3, %get3A_4] : memref<1x1x1x2048xi32, #tpu.memory_space<vmem>>, vector<1x1x1x2048xi32>
    %get3A_6 = vector.shape_cast %get3A_5 : vector<1x1x1x2048xi32> to vector<1x2048xi32>
    %get3A_7 = arith.constant 0 : index
    %get3A_8 = arith.constant 0 : index
    %get3A_9 = arith.constant 0 : index
    %get3A_10 = arith.constant 0 : index
    %get3A_11 = vector.load %arg2[%get3A_7, %get3A_8, %get3A_9, %get3A_10] : memref<1x1x1x2048xi32, #tpu.memory_space<vmem>>, vector<1x1x1x1xi32>
    %get3A_12 = vector.extract %get3A_11[0, 0, 0, 0] : i32 from vector<1x1x1x1xi32>
    %get3A_13 = arith.constant 0 : index
    %get3A_14 = arith.constant 0 : index
    %get3A_15 = arith.constant 0 : index
    %get3A_16 = arith.constant 2047 : index
    %get3A_17 = vector.load %arg2[%get3A_13, %get3A_14, %get3A_15, %get3A_16] : memref<1x1x1x2048xi32, #tpu.memory_space<vmem>>, vector<1x1x1x1xi32>
    %get3A_18 = vector.extract %get3A_17[0, 0, 0, 0] : i32 from vector<1x1x1x1xi32>
    %jit3A = arith.constant 128 : i32
    %div3A = arith.divsi %get3A_12, %jit3A : i32
    %sign3A = arith.constant 0 : i32
    %sign3A_19 = arith.cmpi sgt, %get3A_12, %sign3A : i32
    %sign3A_20 = arith.extui %sign3A_19 : i1 to i32
    %sign3A_21 = arith.constant 0 : i32
    %sign3A_22 = arith.cmpi slt, %get3A_12, %sign3A_21 : i32
    %sign3A_23 = arith.extui %sign3A_22 : i1 to i32
    %sign3A_24 = arith.subi %sign3A_20, %sign3A_23 : i32
    %sign3A_25 = arith.constant 0 : i32
    %sign3A_26 = arith.cmpi sgt, %jit3A, %sign3A_25 : i32
    %sign3A_27 = arith.extui %sign3A_26 : i1 to i32
    %sign3A_28 = arith.constant 0 : i32
    %sign3A_29 = arith.cmpi slt, %jit3A, %sign3A_28 : i32
    %sign3A_30 = arith.extui %sign3A_29 : i1 to i32
    %sign3A_31 = arith.subi %sign3A_27, %sign3A_30 : i32
    %ne3A = arith.cmpi ne, %sign3A_24, %sign3A_31 : i32
    %rem3A = arith.remsi %get3A_12, %jit3A : i32
    %ne3A_32 = arith.constant 0 : i32
    %ne3A_33 = arith.cmpi ne, %rem3A, %ne3A_32 : i32
    %and3A = arith.andi %ne3A, %ne3A_33 : i1
    %sub3A = arith.constant 1 : i32
    %sub3A_34 = arith.subi %div3A, %sub3A : i32
    %select_n3A = arith.select %and3A, %sub3A_34, %div3A : i32
    %jit3A_35 = arith.constant 128 : i32
    %div3A_36 = arith.divsi %get3A_18, %jit3A_35 : i32
    %sign3A_37 = arith.constant 0 : i32
    %sign3A_38 = arith.cmpi sgt, %get3A_18, %sign3A_37 : i32
    %sign3A_39 = arith.extui %sign3A_38 : i1 to i32
    %sign3A_40 = arith.constant 0 : i32
    %sign3A_41 = arith.cmpi slt, %get3A_18, %sign3A_40 : i32
    %sign3A_42 = arith.extui %sign3A_41 : i1 to i32
    %sign3A_43 = arith.subi %sign3A_39, %sign3A_42 : i32
    %sign3A_44 = arith.constant 0 : i32
    %sign3A_45 = arith.cmpi sgt, %jit3A_35, %sign3A_44 : i32
    %sign3A_46 = arith.extui %sign3A_45 : i1 to i32
    %sign3A_47 = arith.constant 0 : i32
    %sign3A_48 = arith.cmpi slt, %jit3A_35, %sign3A_47 : i32
    %sign3A_49 = arith.extui %sign3A_48 : i1 to i32
    %sign3A_50 = arith.subi %sign3A_46, %sign3A_49 : i32
    %ne3A_51 = arith.cmpi ne, %sign3A_43, %sign3A_50 : i32
    %rem3A_52 = arith.remsi %get3A_18, %jit3A_35 : i32
    %ne3A_53 = arith.constant 0 : i32
    %ne3A_54 = arith.cmpi ne, %rem3A_52, %ne3A_53 : i32
    %and3A_55 = arith.andi %ne3A_51, %ne3A_54 : i1
    %sub3A_56 = arith.constant 1 : i32
    %sub3A_57 = arith.subi %div3A_36, %sub3A_56 : i32
    %select_n3A_58 = arith.select %and3A_55, %sub3A_57, %div3A_36 : i32
    %sub3A_59 = arith.subi %select_n3A_58, %select_n3A : i32
    %add3A = arith.constant 1 : i32
    %add3A_60 = arith.addi %sub3A_59, %add3A : i32
    %while3A = arith.constant 0 : i32
    %while3A_61 = arith.constant 0 : i32
    %while3A_62 = arith.subi %add3A_60, %while3A_61 : i32
    %while3A_63 = arith.addi %while3A_61, %while3A_62 : i32
    %while3A_64 = arith.constant 1 : i32
    %while3A_65 = arith.divsi %while3A_62, %while3A_64 : i32
    %while3A_66 = arith.muli %while3A_65, %while3A_64 : i32
    %while3A_67 = arith.addi %while3A_61, %while3A_66 : i32
    %while3A_68 = arith.constant 1 : i32
    scf.for %while3A_75 = %while3A_61 to %while3A_67 step %while3A_68  : i32 {
      %add3A_76 = arith.addi %select_n3A, %while3A_75 : i32
      %mul3A = arith.constant 128 : i32
      %mul3A_77 = arith.muli %add3A_76, %mul3A : i32
      %iota3A = tpu.iota {dimensions = array<i32: 0>} : vector<128x1xi32>
      %add3A_78 = vector.broadcast %mul3A_77 : i32 to vector<128x1xi32>
      %add3A_79 = arith.addi %add3A_78, %iota3A : vector<128x1xi32>
      %eq3A_80 = vector.broadcast %add3A_79 : vector<128x1xi32> to vector<128x2048xi32>
      %eq3A_81 = vector.broadcast %get3A_6 : vector<1x2048xi32> to vector<128x2048xi32>
      %eq3A_82 = arith.cmpi eq, %eq3A_80, %eq3A_81 : vector<128x2048xi32>
      %convert_element_type3A_83 = arith.extui %eq3A_82 : vector<128x2048xi1> to vector<128x2048xi32>
      %convert_element_type3A_84 = arith.sitofp %convert_element_type3A_83 : vector<128x2048xi32> to vector<128x2048xf32>
      %reduce_sum3A = arith.constant dense<0.000000e+00> : vector<128xf32>
      %reduce_sum3A_85 = vector.multi_reduction <add>, %convert_element_type3A_84, %reduce_sum3A [1] : vector<128x2048xf32> to vector<128xf32>
      %broadcast_in_dim3A = vector.shape_cast %reduce_sum3A_85 : vector<128xf32> to vector<128x1xf32>
      %get3A_86 = arith.index_cast %mul3A_77 : i32 to index
      %get3A_87 = arith.constant 0 : index
      %get3A_88 = vector.load %arg8[%get3A_86, %get3A_87] : memref<4096x1xf32, #tpu.memory_space<vmem>>, vector<128x1xf32>
      %add3A_89 = arith.addf %get3A_88, %broadcast_in_dim3A : vector<128x1xf32>
      %swap3A = arith.index_cast %mul3A_77 : i32 to index
      %swap3A_90 = arith.constant 0 : index
      %swap3A_91 = vector.load %arg8[%swap3A, %swap3A_90] : memref<4096x1xf32, #tpu.memory_space<vmem>>, vector<128x1xf32>
      tpu.vector_store %arg8[%swap3A, %swap3A_90], %add3A_89 {strides = array<i32>} : memref<4096x1xf32, #tpu.memory_space<vmem>>, vector<128x1xf32>,
    }
    %while3A_69 = arith.constant 1 : i32
    scf.for %while3A_75 = %while3A_67 to %while3A_63 step %while3A_69  : i32 {
      %add3A_76 = arith.addi %select_n3A, %while3A_75 : i32
      %mul3A = arith.constant 128 : i32
      %mul3A_77 = arith.muli %add3A_76, %mul3A : i32
      %iota3A = tpu.iota {dimensions = array<i32: 0>} : vector<128x1xi32>
      %add3A_78 = vector.broadcast %mul3A_77 : i32 to vector<128x1xi32>
      %add3A_79 = arith.addi %add3A_78, %iota3A : vector<128x1xi32>
      %eq3A_80 = vector.broadcast %add3A_79 : vector<128x1xi32> to vector<128x2048xi32>
      %eq3A_81 = vector.broadcast %get3A_6 : vector<1x2048xi32> to vector<128x2048xi32>
      %eq3A_82 = arith.cmpi eq, %eq3A_80, %eq3A_81 : vector<128x2048xi32>
      %convert_element_type3A_83 = arith.extui %eq3A_82 : vector<128x2048xi1> to vector<128x2048xi32>
      %convert_element_type3A_84 = arith.sitofp %convert_element_type3A_83 : vector<128x2048xi32> to vector<128x2048xf32>
      %reduce_sum3A = arith.constant dense<0.000000e+00> : vector<128xf32>
      %reduce_sum3A_85 = vector.multi_reduction <add>, %convert_element_type3A_84, %reduce_sum3A [1] : vector<128x2048xf32> to vector<128xf32>
      %broadcast_in_dim3A = vector.shape_cast %reduce_sum3A_85 : vector<128xf32> to vector<128x1xf32>
      %get3A_86 = arith.index_cast %mul3A_77 : i32 to index
      %get3A_87 = arith.constant 0 : index
      %get3A_88 = vector.load %arg8[%get3A_86, %get3A_87] : memref<4096x1xf32, #tpu.memory_space<vmem>>, vector<128x1xf32>
      %add3A_89 = arith.addf %get3A_88, %broadcast_in_dim3A : vector<128x1xf32>
      %swap3A = arith.index_cast %mul3A_77 : i32 to index
      %swap3A_90 = arith.constant 0 : index
      %swap3A_91 = vector.load %arg8[%swap3A, %swap3A_90] : memref<4096x1xf32, #tpu.memory_space<vmem>>, vector<128x1xf32>
      tpu.vector_store %arg8[%swap3A, %swap3A_90], %add3A_89 {strides = array<i32>} : memref<4096x1xf32, #tpu.memory_space<vmem>>, vector<128x1xf32>,
    }
    %eq3A_70 = arith.constant 63 : i32
    %eq3A_71 = arith.cmpi eq, %arg1, %eq3A_70 : i32
    %convert_element_type3A_72 = arith.extui %eq3A_71 : i1 to i32
    %cond3A_73 = arith.constant 0 : i32
    %cond3A_74 = arith.cmpi ne, %convert_element_type3A_72, %cond3A_73 : i32
    scf.if %cond3A_74 {
      %get3A_75 = arith.constant 0 : index
      %get3A_76 = arith.constant 0 : index
      %get3A_77 = arith.constant 0 : index
      %get3A_78 = arith.constant 0 : index
      %get3A_79 = vector.load %arg3[%get3A_75, %get3A_76, %get3A_77, %get3A_78] : memref<3x1x4096x128xf32, #tpu.memory_space<vmem>>, vector<1x1x4096x128xf32>
      %get3A_80 = vector.shape_cast %get3A_79 : vector<1x1x4096x128xf32> to vector<4096x128xf32>
      %get3A_81 = arith.constant 1 : index
      %get3A_82 = arith.constant 0 : index
      %get3A_83 = arith.constant 0 : index
      %get3A_84 = arith.constant 0 : index
      %get3A_85 = vector.load %arg3[%get3A_81, %get3A_82, %get3A_83, %get3A_84] : memref<3x1x4096x128xf32, #tpu.memory_space<vmem>>, vector<1x1x4096x128xf32>
      %get3A_86 = vector.shape_cast %get3A_85 : vector<1x1x4096x128xf32> to vector<4096x128xf32>
      %add3A_87 = arith.addf %get3A_80, %get3A_86 : vector<4096x128xf32>
      %get3A_88 = arith.constant 2 : index
      %get3A_89 = arith.constant 0 : index
      %get3A_90 = arith.constant 0 : index
      %get3A_91 = arith.constant 0 : index
      %get3A_92 = vector.load %arg3[%get3A_88, %get3A_89, %get3A_90, %get3A_91] : memref<3x1x4096x128xf32, #tpu.memory_space<vmem>>, vector<1x1x4096x128xf32>
      %get3A_93 = vector.shape_cast %get3A_92 : vector<1x1x4096x128xf32> to vector<4096x128xf32>
      %add3A_94 = arith.addf %add3A_87, %get3A_93 : vector<4096x128xf32>
      %get3A_95 = arith.constant 0 : index
      %get3A_96 = arith.constant 0 : index
      %get3A_97 = vector.load %arg4[%get3A_95, %get3A_96] : memref<128x128xf32, #tpu.memory_space<vmem>>, vector<128x128xf32>
      %dot_general3A = arith.constant dense<0.000000e+00> : vector<4096x128xf32>
      %dot_general3A_98 = tpu.matmul %add3A_94, %get3A_97, %dot_general3A {dimension_numbers = #tpu.dot_dimension_numbers<[1], [0], [0], [1], [0, 0, 1, 1], [], []>, transpose_lhs_hint = false} : vector<4096x128xf32>, vector<128x128xf32>, vector<4096x128xf32> -> vector<4096x128xf32>
      %get3A_99 = arith.constant 0 : index
      %get3A_100 = arith.constant 0 : index
      %get3A_101 = vector.load %arg8[%get3A_99, %get3A_100] : memref<4096x1xf32, #tpu.memory_space<vmem>>, vector<4096x1xf32>
      %add3A_102 = arith.constant 1.000000e+00 : f32
      %add3A_103 = vector.broadcast %add3A_102 : f32 to vector<4096x1xf32>
      %add3A_104 = arith.addf %get3A_101, %add3A_103 : vector<4096x1xf32>
      %div3A_105 = vector.broadcast %add3A_104 : vector<4096x1xf32> to vector<4096x128xf32>
      %div3A_106 = arith.divf %dot_general3A_98, %div3A_105 : vector<4096x128xf32>
      %get3A_107 = arith.constant 0 : index
      %get3A_108 = arith.constant 0 : index
      %get3A_109 = vector.load %arg5[%get3A_107, %get3A_108] : memref<128x128xf32, #tpu.memory_space<vmem>>, vector<128x128xf32>
      %dot_general3A_110 = arith.constant dense<0.000000e+00> : vector<4096x128xf32>
      %dot_general3A_111 = tpu.matmul %div3A_106, %get3A_109, %dot_general3A_110 {dimension_numbers = #tpu.dot_dimension_numbers<[1], [0], [0], [1], [0, 0, 1, 1], [], []>, transpose_lhs_hint = false} : vector<4096x128xf32>, vector<128x128xf32>, vector<4096x128xf32> -> vector<4096x128xf32>
      %get3A_112 = arith.constant 0 : index
      %get3A_113 = arith.constant 0 : index
      %get3A_114 = vector.load %arg6[%get3A_112, %get3A_113] : memref<1x128xf32, #tpu.memory_space<vmem>>, vector<1x128xf32>
      %add3A_115 = vector.broadcast %get3A_114 : vector<1x128xf32> to vector<4096x128xf32>
      %add3A_116 = arith.addf %dot_general3A_111, %add3A_115 : vector<4096x128xf32>
      %swap3A = arith.constant 0 : index
      %swap3A_117 = arith.constant 0 : index
      %swap3A_118 = arith.constant 0 : index
      %swap3A_119 = vector.load %arg7[%swap3A, %swap3A_117, %swap3A_118] : memref<1x4096x128xf32, #tpu.memory_space<vmem>>, vector<1x4096x128xf32>
      %swap3A_120 = vector.shape_cast %swap3A_119 : vector<1x4096x128xf32> to vector<4096x128xf32>
      %swap3A_121 = vector.shape_cast %add3A_116 : vector<4096x128xf32> to vector<1x4096x128xf32>
      tpu.vector_store %arg7[%swap3A, %swap3A_117, %swap3A_118], %swap3A_121 {strides = array<i32>} : memref<1x4096x128xf32, #tpu.memory_space<vmem>>, vector<1x4096x128xf32>,
    } else {
    }
    return
  }
  func.func @transform_0(%arg0: i32, %arg1: i32) -> (i32, i32, i32, i32) {
    %c0_i32 = arith.constant 0 : i32
    %c0_i32_0 = arith.constant 0 : i32
    %c0_i32_1 = arith.constant 0 : i32
    return %arg0, %arg1, %c0_i32, %c0_i32_0 : i32, i32, i32, i32
  }
  func.func @transform_1(%arg0: i32, %arg1: i32) -> (i32, i32, i32, i32) {
    %c0_i32 = arith.constant 0 : i32
    %c0_i32_0 = arith.constant 0 : i32
    %c0_i32_1 = arith.constant 0 : i32
    %c0_i32_2 = arith.constant 0 : i32
    return %c0_i32, %arg0, %c0_i32_0, %c0_i32_1 : i32, i32, i32, i32
  }
  func.func @transform_2(%arg0: i32, %arg1: i32) -> (i32, i32) {
    %c0_i32 = arith.constant 0 : i32
    %c0_i32_0 = arith.constant 0 : i32
    %c0_i32_1 = arith.constant 0 : i32
    return %c0_i32, %c0_i32_0 : i32, i32
  }
  func.func @transform_3(%arg0: i32, %arg1: i32) -> (i32, i32) {
    %c0_i32 = arith.constant 0 : i32
    %c0_i32_0 = arith.constant 0 : i32
    %c0_i32_1 = arith.constant 0 : i32
    return %c0_i32, %c0_i32_0 : i32, i32
  }
  func.func @transform_4(%arg0: i32, %arg1: i32) -> (i32, i32) {
    %c0_i32 = arith.constant 0 : i32
    %c0_i32_0 = arith.constant 0 : i32
    %c0_i32_1 = arith.constant 0 : i32
    return %c0_i32, %c0_i32_0 : i32, i32
  }
  func.func @transform_5(%arg0: i32, %arg1: i32) -> (i32, i32, i32) {
    %c0_i32 = arith.constant 0 : i32
    %c0_i32_0 = arith.constant 0 : i32
    %c0_i32_1 = arith.constant 0 : i32
    return %arg0, %c0_i32, %c0_i32_0 : i32, i32, i32
  }
}

</mosaic_0001>

<sc_bundles>
// kernel: kernel.5.cloned.1.call-start
scs
__scs_entry_jumppad:
0x0: {  	(pc) =	sbr.rel $0x88, $3  }
0x1: {  	(tag) =	ssettag $0x0;
	lr =	simm.s32 $0x1  }
0x2: {  	[smem:$0x3F9A] =	sst lr;
	_ =	strace $0xD0000000  }
0x3: {  	_ = 	snop  }
0x4: {  	_ = 	snop  }
0x5: {  	_ = 	snop  }
0x6: {  	_ = 	snop  }
0x7: {  	_ = 	snop  }
__scs_overlays_trampoline_lowered:
0x8: {  	[smem:$0x3FA9] =	sst s0  }
0x9: {  	[smem:$0x3FAA] =	sst s1  }
0xa: {  	[smem:$0x3FAB] =	sst s2  }
0xb: {  	[smem:$0x3FAC] =	sst s3  }
0xc: {  	[smem:$0x3FAD] =	sst s4  }
0xd: {  	[smem:$0x3FAE] =	sst s5  }
0xe: {  	[smem:$0x3FAF] =	sst s6  }
0xf: {  	[smem:$0x3FB0] =	sst s7  }
0x10: {  	[smem:$0x3FB1] =	sst s8  }
0x11: {  	[smem:$0x3FB2] =	sst s9;
	s0 =	simm.s32 @!p0 $0x0  }
0x12: {  	s1 =	sld [smem:$0x3F98];
	s0 =	simm.s32 @p0 $0x1  }
0x13: {  	[smem:$0x3FB3] =	sst s0;
	s0 =	simm.s32 @!p1 $0x0  }
0x14: {  	s2 =	sld [smem:$0x3F97];
	s0 =	simm.s32 @p1 $0x1  }
0x15: {  	[smem:$0x3FB4] =	sst s0;
	s0 =	simm.s32 @!p2 $0x0  }
0x16: {  	s3 =	sld [smem:$0x3FDB];
	s0 =	simm.s32 @p2 $0x1  }
0x17: {  	s4 =	simm.s32 $0x1BF5;
	[smem:$0x3FB6] =	sst s0  }
0x18: {  	s0 =	sld [smem:$0x3F99];
	_ =	swait.ge [sflag:s4], $0x0  }
0x19: {  	s7 =	sld [smem:$0x3F9A]  }
0x1a: {  	s8 =	sadd.s32 $0xFFFFE003, lr  }
0x1b: {  	s9 =	sadd.s32 $0xFFFFFEF7, lr;
	s5 =	simm.s32 $0xFFFFFFFF;
	p2 =	slt.u32 s8, $0xFFFFF086  }
0x1c: {  	p1 =	slt.u32 s9, $0xF7A;
	s5 =	simm.s32 @!p2 $0x0  }
0x1d: {  	s5 =	simm.s32 @p1 $0x1;
	p0 =	seq.s32 s7, s2  }
0x1e: {  	s7 =	smul.u32 @!p0 $0xF7A, s2;
	p2 =	seq.s32 @!p0 s5, $0x0  }
0x1f: {  	s9 =	smul.u32 $0xF7A, s1;
	s8 =	simm.s32 @!p0 $0x1BF5;
	p2 =	por !p2, p0  }
0x20: {  	[sflag:s8] =	ssyncset.s32 @!p0 $0xFFFFF086;
	s6 =	sadd.s32 @!p0 s3, s7;
	s7 =	simm.s32 @!p0 $0x108  }
0x21: {  	s3 =	sadd.s32 s3, s9;
	s6 =	sadd.s32 @!p0 $0x88, s6;
	s7 =	simm.s32 @p2 $0x1082  }
0x22: {  	[simem:s7], [sflag:s8] =	dma.local @!p0 [hbm:s6], $0xF7A  }
0x23: {  	s9 =	sor.u32 $0xD0000000, s2;
	s6 =	simm.s32 $0x108;
	_ =	swait.ge @!p0 [sflag:s8], $0x0  }
0x24: {  	s3 =	sadd.s32 $0x88, s3;
	s6 =	simm.s32 @!p1 $0x1082;
	[sflag:s4] =	ssyncset.s32 $0xFFFFF086  }
0x25: {  	[simem:s6], [sflag:s4] =	dma.local [hbm:s3], $0xF7A  }
0x26: {  	[smem:$0x3F9A] =	sst s1;
	(tag) =	ssettag s2;
	_ =	strace s9  }
0x27: {  	s1 =	sld [smem:$0x3FAA]  }
0x28: {  	s2 =	sld [smem:$0x3FAB]  }
0x29: {  	s4 =	sld [smem:$0x3FAD]  }
0x2a: {  	p0 =	seq.s32 s5, $0x0;
	s5 =	sld [smem:$0x3FAE]  }
0x2b: {  	s6 =	sld [smem:$0x3FAF]  }
0x2c: {  	s7 =	sld [smem:$0x3FB0]  }
0x2d: {  	s3 =	simm.s32 $0x108;
	s8 =	sld [smem:$0x3FB1]  }
0x2e: {  	s3 =	simm.s32 @!p0 $0x1082;
	s9 =	sld [smem:$0x3FB2]  }
0x2f: {  	lr =	sadd.s32 s0, s3;
	s0 =	sld [smem:$0x3FA9]  }
0x30: {  	s3 =	sld [smem:$0x3FAC]  }
0x31: {  	[smem:$0x3FB5] =	sst s10  }
0x32: {  	s10 =	sld [smem:$0x3FB3];
	_ =	sdelay $0x3  }
0x33: {  	p0 =	seq.s32 s10, $0x1;
	s10 =	sld [smem:$0x3FB5];
	_ =	sdelay $0x3  }
0x34: {  	[smem:$0x3FB5] =	sst s10  }
0x35: {  	s10 =	sld [smem:$0x3FB4];
	_ =	sdelay $0x3  }
0x36: {  	p1 =	seq.s32 s10, $0x1;
	s10 =	sld [smem:$0x3FB5];
	_ =	sdelay $0x3  }
0x37: {  	[smem:$0x3FB5] =	sst s10  }
0x38: {  	s10 =	sld [smem:$0x3FB6]  }
0x39: {  	_ = 	snop;
	(pc) =	sbr.ind lr, $3  }
0x3a: {  	_ = 	snop  }
0x3b: {  	_ = 	snop  }
0x3c: {  	p2 =	seq.s32 s10, $0x1;
	s10 =	sld [smem:$0x3FB5]  }
0x3d: {  	_ =	shalt  }
0x3e: {  	_ =	shalt  }
0x3f: {  	_ =	shalt  }
0x40: {  	_ =	shalt  }
0x41: {  	_ =	shalt  }
0x42: {  	_ =	shalt  }
0x43: {  	_ =	shalt  }
0x44: {  	_ =	shalt  }
0x45: {  	_ =	shalt  }
0x46: {  	_ =	shalt  }
0x47: {  	_ =	shalt  }
0x48: {  	_ =	shalt  }
0x49: {  	_ =	shalt  }
0x4a: {  	_ =	shalt  }
0x4b: {  	_ =	shalt  }
0x4c: {  	_ =	shalt  }
0x4d: {  	_ =	shalt  }
0x4e: {  	_ =	shalt  }
0x4f: {  	_ =	shalt  }
0x50: {  	_ =	shalt  }
0x51: {  	_ =	shalt  }
0x52: {  	_ =	shalt  }
0x53: {  	_ =	shalt  }
0x54: {  	_ =	shalt  }
0x55: {  	_ =	shalt  }
0x56: {  	_ =	shalt  }
0x57: {  	_ =	shalt  }
0x58: {  	_ =	shalt  }
0x59: {  	_ =	shalt  }
0x5a: {  	_ =	shalt  }
0x5b: {  	_ =	shalt  }
0x5c: {  	_ =	shalt  }
0x5d: {  	_ =	shalt  }
0x5e: {  	_ =	shalt  }
0x5f: {  	_ =	shalt  }
0x60: {  	_ =	shalt  }
0x61: {  	_ =	shalt  }
0x62: {  	_ =	shalt  }
0x63: {  	_ =	shalt  }
0x64: {  	_ =	shalt  }
0x65: {  	_ =	shalt  }
0x66: {  	_ =	shalt  }
0x67: {  	_ =	shalt  }
0x68: {  	_ =	shalt  }
0x69: {  	_ =	shalt  }
0x6a: {  	_ =	shalt  }
0x6b: {  	_ =	shalt  }
0x6c: {  	_ =	shalt  }
0x6d: {  	_ =	shalt  }
0x6e: {  	_ =	shalt  }
0x6f: {  	_ =	shalt  }
0x70: {  	_ =	shalt  }
0x71: {  	_ =	shalt  }
0x72: {  	_ =	shalt  }
0x73: {  	_ =	shalt  }
0x74: {  	_ =	shalt  }
0x75: {  	_ =	shalt  }
0x76: {  	_ =	shalt  }
0x77: {  	_ =	shalt  }
0x78: {  	_ =	shalt  }
0x79: {  	_ =	shalt  }
0x7a: {  	_ =	shalt  }
0x7b: {  	_ =	shalt  }
0x7c: {  	_ =	shalt  }
0x7d: {  	_ =	shalt  }
0x7e: {  	_ =	shalt  }
0x7f: {  	_ =	shalt  }
0x80: {  	_ =	shalt  }
0x81: {  	_ =	shalt  }
0x82: {  	_ =	shalt  }
0x83: {  	_ =	shalt  }
0x84: {  	_ =	shalt  }
0x85: {  	_ =	shalt  }
0x86: {  	_ =	shalt  }
0x87: {  	_ =	shalt  }
.Lfunc_end0:
.L_simem_size_0:
called_computation_lowered:
.L_overlay_start_0:
0x88: {  	s2 =	sld [smem:$0x3FD9]  }
0x89: {  	s3 =	sld [smem:$0x3FFE];
	_ =	sdelay $0x1  }
0x8a: {  	s1 =	srdreg.scid  }
0x8b: {  	s0 =	sand.u32 $0x1, s1  }
0x8c: {  	s17 =	sshll.u32 s0, $0xA;
	s2 =	sadd.s32 s3, s2  }
0x8d: {  	s2 =	sadd.s32 s2, s17  }
0x8e: {  	[smem:$0x3FC1] =	sst s2  }
0x8f: {  	_ = 	snop  }
0x90: {  	s2 =	sld [smem:$0x3FC9]  }
0x91: {  	s18 =	sld [smem:$0x3FD0];
	(tm) =	ssettm $0x1  }
0x92: {  	s4 =	sld [smem:$0x3FFB];
	_ =	sdelay $0x3  }
0x93: {  	_ =	strace s4  }
0x94: {  	s4 =	sld [smem:$0x3FFC];
	_ =	sdelay $0x3  }
0x95: {  	_ =	strace s4  }
0x96: {  	s4 =	sld [smem:$0x3FFD];
	_ =	sdelay $0x3  }
0x97: {  	_ =	strace s4  }
0x98: {  	_ =	strace $0x8FFFFFFF  }
0x99: {  	s19 =	sld [smem:$0x3FDB];
	_ =	sdelay $0x1  }
0x9a: {  	s5 =	simm.s32 $_scs_section_size  }
0x9b: {  	s6 =	simm.s32 $_size__tile_overlayer_lowered;
	s7 =	simm.s32 $_tile_overlayer_lowered  }
0x9c: {  	s22 =	simm.s32 $0x1BFF;
	s21 =	sshll.u32 s7, $0x1;
	s4 =	sadd.s32 s5, s19  }
0x9d: {  	s8 =	simm.s32 $0x0;
	s20 =	sshll.u32 s6, $0x1;
	s6 =	sadd.s32 s21, s4  }
0x9e: {  	[timem:s8], [sflag:s22] =	dma.local [hbm:s6], s20  }
0x9f: {  	_ =	swait.ge [sflag:s22], s20  }
0xa0: {  	s5 =	ssub.s32 $0x0, s20;
	[sflag:s22] =	ssyncset.done $0x0  }
0xa1: {  	[sflag:s22] =	ssyncadd.s32 s5;
	_ =	sdelay $0x1  }
0xa2: {  	s23 =	simm.s32 $0x1B8B  }
0xa3: {  	_ =	swait.ge [sflag:s23], $0x1  }
0xa4: {  	[sflag:s23] =	ssyncset.done $0x0  }
0xa5: {  	s25 =	simm.s32 $0x1B8E;
	s24 =	sld [smem:$0x3FFE];
	[sflag:s23] =	ssyncadd.s32 $0xFFFFFFFF  }
0xa6: {  	s26 =	simm.s32 $execute0_lowered;
	[smem:$0x3FD2] =	sst s25  }
0xa7: {  	s6 =	sshll.u32 s26, $0x1;
	_ =	strace $0x80000046;
	[dreg:$0x1] =	wrdreg $0xFFFFFFFF  }
0xa8: {  	s28 =	simm.s32 $_size_execute0_lowered;
	s4 =	sadd.s32 s4, s6;
	[dreg:$0x0] =	wrdreg $0x0  }
0xa9: {  	s6 =	sshll.u32 s28, $0x1;
	[dreg:$0x2] =	wrdreg s4  }
0xaa: {  	[dreg:$0x3] =	wrdreg s6  }
0xab: {  	[dreg:$0x4] =	wrdreg $0xC0  }
0xac: {  	_ =	task [dreg:s8], $0x5FFFF  }
0xad: {  	[dreg:$0x1] =	wrdreg $0xFFFFFFFF  }
0xae: {  	[dreg:$0x0] =	wrdreg $0x60  }
0xaf: {  	[dreg:$0x2] =	wrdreg s2  }
0xb0: {  	[dreg:$0x3] =	wrdreg s24  }
0xb1: {  	[dreg:$0x4] =	wrdreg s18  }
0xb2: {  	[dreg:$0x5] =	wrdreg $0x28800  }
0xb3: {  	[dreg:$0x6] =	wrdreg $0x9  }
0xb4: {  	_ =	task.clear_ibuf [dreg:s8], $0x7FFFF;
	_ =	strace $0x90000046  }
0xb5: {  	s29 =	simm.s32 $0x9;
	_ =	strace $0x80000048  }
0xb6: {  	_ =	swait.ge [sflag:s29], $0x1  }
0xb7: {  	[sflag:s29] =	ssyncadd.s32 $0xFFFFFFFF  }
0xb8: {  	_ =	strace $0x90000048  }
0xb9: {  	_ =	sfence  }
0xba: {  	s30 =	sld [smem:$0x0];
	_ =	sdelay $0x2  }
0xbb: {  	s31 =	sshll.u32 s1, $0xD;
	s1 =	sshrl.u32 s1, $0x2  }
0xbc: {  	s3 =	sand.u32 $0x4000, s31;
	s1 =	sadd.s32 s1, s30  }
0xbd: {  	s0 =	sor.u32 s3, s0;
	s1 =	sshll.u32 s1, $0x11  }
0xbe: {  	s0 =	sor.u32 s1, s0  }
0xbf: {  	s0 =	sadd.s32 $0x8F2B, s0  }
0xc0: {  	[sflag:s0] =	ssyncadd.remote.s32 $0x1  }
0xc1: {  	_ =	sfence.sel $0xFFFF  }
0xc2: {  	[dreg:$0x0] =	wrdreg $0xFFFFFFFF;
	(pc) =	sbr.abs _section_cstart, $3  }
0xc3: {  	[dreg:$0x1] =	wrdreg $0xFFFFFFFF  }
0xc4: {  	_ =	task.clear_ibuf [dreg:s8], $0x2FFFF;
	_ =	strace $0x9FFFFFFF  }
0xc5: {  	(tm) =	ssettm $0x7FFFFFFF  }
tec
execute0_lowered:
.L_overlay_start_1:
0x0: {  	(tag) =	ssettag $0x1  }
0x1: {  	s1 =	rddreg [dreg:$0x0]  }
0x2: {  	s0 =	rddreg [dreg:$0x1]  }
0x3: {  	s3 =	rddreg [dreg:$0x3];
	s4 =	simm.s32 $0x0  }
0x4: {  	s2 =	srdreg.scid;
	v0 =	vimm.s32 $0xFEDCBA98;
	s10 =	stileid.u32;
	v1 =	vimm.s32 $0x76543210;
	s28 =	simm.s32 $0x1  }
0x5: {  	v2 =	vimm.s32 $0xBA98FEDC;
	v3 =	vimm.s32 $0x32107654;
	s30 =	simm.s32 $0x2000;
	s31 =	simm.s32 $0x40;
	[smem:$0x7FF] =	sst s4  }
0x6: {  	v4 =	vimm.s32 $0xDCFE98BA;
	v5 =	vimm.s32 $0x54761032;
	s2 =	sand.u32 $0x1, s2;
	s6 =	sadd.s32 $0xC00, s0;
	s5 =	sshll.u32 s10, $0xD  }
0x7: {  	v6 =	vimm.s32 $0xEFCDAB89;
	v7 =	vimm.s32 $0x67452301;
	s7 =	sadd.s32 $0x8C00, s0;
	s9 =	sshll.u32 s10, $0x1;
	s29 =	sshll.u32 s10, $0x10  }
0x8: {  	v0 =	vunpack.c.l.s4.s8 v0;
	v1 =	vunpack.c.l.s4.s8 v1;
	v2 =	vunpack.c.l.s4.s8 v2;
	_ =	strace $0x80000047;
	s8 =	sshll.u32 s2, $0x11;
	s25 =	ssub.s32 $0x2, s2  }
0x9: {  	v3 =	vunpack.c.l.s4.s8 v3;
	v4 =	vunpack.c.l.s4.s8 v4;
	v5 =	vunpack.c.l.s4.s8 v5;
	s2 =	sor.u32 s2, s9;
	s5 =	sor.u32 s5, s8;
	s26 =	sshrl.u32 s25, $0x1  }
0xa: {  	v6 =	vunpack.c.l.s4.s8 v6;
	v7 =	vunpack.c.l.s4.s8 v7;
	v0 =	vunpack.c.0.s8.s32 v0;
	s8 =	sadd.s32 s29, s3;
	s9 =	smul.u32 $0x30, s2;
	s0 =	sadd.s32 s5, s0  }
0xb: {  	v2 =	vunpack.c.0.s8.s32 v2;
	v3 =	vunpack.c.0.s8.s32 v3;
	v4 =	vunpack.c.0.s8.s32 v4;
	s5 =	ssub.s32 s25, s26;
	s11 =	sadd.s32 $0x2000, s8;
	s12 =	sadd.s32 $0x4000, s8  }
0xc: {  	v5 =	vunpack.c.0.s8.s32 v5;
	v6 =	vunpack.c.0.s8.s32 v6;
	v7 =	vunpack.c.0.s8.s32 v7;
	s13 =	sadd.s32 $0x6000, s8;
	s14 =	sadd.s32 $0x8000, s8;
	s15 =	sadd.s32 $0xA000, s8  }
0xd: {  	v1 =	vunpack.c.0.s8.s32 v1;
	s16 =	sadd.s32 $0xC000, s8;
	s17 =	sadd.s32 $0xE000, s8;
	s10 =	smax.u32 s5, $0x1;
	v2 =	vcombine.low v3, v2  }
0xe: {  	s18 =	sadd.s32 $0x8E00, s0;
	s19 =	sadd.s32 $0x9200, s0;
	s20 =	sadd.s32 $0x9600, s0;
	v3 =	vcombine.low v5, v4;
	v4 =	vand.u32 $0xF, v0;
	v5 =	vcombine.low v7, v6  }
0xf: {  	s21 =	sadd.s32 $0x9A00, s0;
	s22 =	sadd.s32 $0x9E00, s0;
	s23 =	sadd.s32 $0xA200, s0;
	v0 =	vimm.f32 $0.0e+00;
	v1 =	vcombine.low v4, v1  }
0x10: {  	s24 =	sadd.s32 $0xA600, s0;
	s25 =	sadd.s32 $0xAA00, s0;
	s0 =	simm.s32 $0x0;
	v2 =	vand.u32 $0xF, v2;
	v3 =	vand.u32 $0xF, v3;
	v4 =	vand.u32 $0xF, v5  }
.LBB2_1:
0x11: {  	s2 =	rddreg [dreg:$0x2];
	s5 =	simm.s32 $0x2080  }
0x12: {  	[tilespmem:s5], [sflag:$0x1] =	stream.linear.gather [hbm4b:s2+s4], $0x400, $0x38;
	[tilespmem:$0x12880] =	vst v63  }
0x13: {  	_ =	swait.ge [sflag:s28], $0x400  }
0x14: {  	[sflag:s28] =	ssyncset.done $0x0  }
0x15: {  	s29 =	simm.s32 $0x2480;
	[sflag:s28] =	ssyncadd.s32 $0xFFFFFC00  }
0x16: {  	[tilespmem:s29], [sflag:$0x1] =	stream.linear.gather [hbm4b:s7+s4], $0x400, $0x38;
	[tilespmem:$0x12880] =	vst v63  }
0x17: {  	_ =	swait.ge [sflag:s28], $0x400  }
0x18: {  	[sflag:s28] =	ssyncset.done $0x0  }
0x19: {  	s2 =	simm.s32 $0x0;
	s5 =	simm.s32 $0x200;
	[sflag:s28] =	ssyncadd.s32 $0xFFFFFC00  }
.LBB2_2:
0x1a: {  	p0 =	sne.s32 s5, $0x7E00;
	[tilespmem:s2+$0x70] =	vst v0  }
0x1b: {  	[tilespmem:s2+$0x0] =	vst v0  }
0x1c: {  	[tilespmem:s2+$0x10] =	vst v0  }
.Ltmp0:
0x1d: {  	[tilespmem:s2+$0x20] =	vst v0;
	(pc) =	sbr.rel @p0 .LBB2_2-.Ltmp0, $4  }
0x1e: {  	[tilespmem:s2+$0x30] =	vst v0  }
0x1f: {  	[tilespmem:s2+$0x40] =	vst v0  }
0x20: {  	[tilespmem:s2+$0x50] =	vst v0  }
0x21: {  	[tilespmem:s2+$0x60] =	vst v0;
	s2 =	sshra.s32 s5, $0x2;
	s5 =	sadd.s32 $0x200, s5  }
0x22: {  	[tilespmem:s2+$0x70] =	vst v0  }
0x23: {  	[tilespmem:s2+$0x0] =	vst v0  }
0x24: {  	[tilespmem:s2+$0x10] =	vst v0  }
0x25: {  	[tilespmem:s2+$0x20] =	vst v0  }
0x26: {  	[tilespmem:s2+$0x30] =	vst v0  }
0x27: {  	[tilespmem:s2+$0x40] =	vst v0  }
0x28: {  	[tilespmem:s2+$0x50] =	vst v0  }
0x29: {  	[tilespmem:s2+$0x60] =	vst v0;
	s5 =	simm.s32 $0x0  }
0x2a: {  	[spmem:s8] =	stream.linear.scatter [tilespmem:s5], [sflag:$0x1], $0x2000, $0x38;
	[tilespmem:$0x12880] =	vst v63  }
0x2b: {  	_ =	swait.ge [sflag:s28], $0x2000  }
0x2c: {  	[sflag:s28] =	ssyncset.done $0x0  }
0x2d: {  	[sflag:s28] =	ssyncadd.s32 $0xFFFFE000  }
0x2e: {  	[spmem:s11] =	stream.linear.scatter [tilespmem:s5], [sflag:$0x1], $0x2000, $0x38;
	[tilespmem:$0x12880] =	vst v63  }
0x2f: {  	_ =	swait.ge [sflag:s28], $0x2000  }
0x30: {  	[sflag:s28] =	ssyncset.done $0x0  }
0x31: {  	[sflag:s28] =	ssyncadd.s32 $0xFFFFE000  }
0x32: {  	[spmem:s12] =	stream.linear.scatter [tilespmem:s5], [sflag:$0x1], $0x2000, $0x38;
	[tilespmem:$0x12880] =	vst v63  }
0x33: {  	_ =	swait.ge [sflag:s28], $0x2000  }
0x34: {  	[sflag:s28] =	ssyncset.done $0x0  }
0x35: {  	[sflag:s28] =	ssyncadd.s32 $0xFFFFE000  }
0x36: {  	[spmem:s13] =	stream.linear.scatter [tilespmem:s5], [sflag:$0x1], $0x2000, $0x38;
	[tilespmem:$0x12880] =	vst v63  }
0x37: {  	_ =	swait.ge [sflag:s28], $0x2000  }
0x38: {  	[sflag:s28] =	ssyncset.done $0x0  }
0x39: {  	[sflag:s28] =	ssyncadd.s32 $0xFFFFE000  }
0x3a: {  	[spmem:s14] =	stream.linear.scatter [tilespmem:s5], [sflag:$0x1], $0x2000, $0x38;
	[tilespmem:$0x12880] =	vst v63  }
0x3b: {  	_ =	swait.ge [sflag:s28], $0x2000  }
0x3c: {  	[sflag:s28] =	ssyncset.done $0x0  }
0x3d: {  	[sflag:s28] =	ssyncadd.s32 $0xFFFFE000  }
0x3e: {  	[spmem:s15] =	stream.linear.scatter [tilespmem:s5], [sflag:$0x1], $0x2000, $0x38;
	[tilespmem:$0x12880] =	vst v63  }
0x3f: {  	_ =	swait.ge [sflag:s28], $0x2000  }
0x40: {  	[sflag:s28] =	ssyncset.done $0x0  }
0x41: {  	[sflag:s28] =	ssyncadd.s32 $0xFFFFE000  }
0x42: {  	[spmem:s16] =	stream.linear.scatter [tilespmem:s5], [sflag:$0x1], $0x2000, $0x38;
	[tilespmem:$0x12880] =	vst v63  }
0x43: {  	_ =	swait.ge [sflag:s28], $0x2000  }
0x44: {  	[sflag:s28] =	ssyncset.done $0x0  }
0x45: {  	[sflag:s28] =	ssyncadd.s32 $0xFFFFE000  }
0x46: {  	[spmem:s17] =	stream.linear.scatter [tilespmem:s5], [sflag:$0x1], $0x2000, $0x38;
	[tilespmem:$0x12880] =	vst v63  }
0x47: {  	_ =	swait.ge [sflag:s28], $0x2000  }
0x48: {  	[sflag:s28] =	ssyncset.done $0x0  }
0x49: {  	[sflag:s28] =	ssyncadd.s32 $0xFFFFE000  }
0x4a: {  	[bflag:$0x0] =	sbarrier.arrive $0xFFFF  }
0x4b: {  	v5 =	vld [tilespmem:$0x2080]  }
0x4c: {  	v6 =	vld [tilespmem:$0x2100]  }
0x4d: {  	v7 =	vld [tilespmem:$0x2180]  }
0x4e: {  	v8 =	vld [tilespmem:$0x2200]  }
0x4f: {  	v9 =	vld [tilespmem:$0x2280]  }
0x50: {  	v10 =	vld [tilespmem:$0x2300]  }
0x51: {  	v11 =	vld [tilespmem:$0x2380]  }
0x52: {  	v12 =	vld [tilespmem:$0x2400]  }
0x53: {  	v13 =	vld [tilespmem:$0x2480]  }
0x54: {  	v14 =	vld [tilespmem:$0x2500]  }
0x55: {  	v15 =	vld [tilespmem:$0x2580]  }
0x56: {  	v16 =	vld [tilespmem:$0x2600]  }
0x57: {  	v17 =	vld [tilespmem:$0x2680]  }
0x58: {  	v18 =	vld [tilespmem:$0x2700]  }
0x59: {  	v19 =	vld [tilespmem:$0x2780]  }
0x5a: {  	v20 =	vld [tilespmem:$0x2800]  }
.LBB2_4:
0x5b: {  	s2 =	sadd.s32 s9, s5  }
0x5c: {  	s2 =	sshll.u32 s2, $0x6  }
0x5d: {  	s2 =	sadd.s32 $0x28000, s2  }
0x5e: {  	s26 =	sshll.u32 s2, $0x4  }
0x5f: {  	s26 =	sadd.s32 s1, s26  }
0x60: {  	[tilespmem:s4], [sflag:$0x1] =	stream.linear.gather [hbm4b:s26+s4], $0x2000, $0x38;
	[tilespmem:$0x12880] =	vst v63  }
0x61: {  	_ =	swait.ge [sflag:s28], $0x2000  }
0x62: {  	s2 =	sshrl.u32 s2, $0x3;
	[sflag:s28] =	ssyncset.done $0x0  }
0x63: {  	s2 =	sadd.s32 s6, s2;
	[sflag:s28] =	ssyncadd.s32 $0xFFFFE000  }
0x64: {  	[tilespmem:s30], [sflag:$0x1] =	stream.linear.gather [hbm4b:s2+s4], $0x40, $0x38;
	[tilespmem:$0x12880] =	vst v63  }
0x65: {  	_ =	swait.ge [sflag:s28], $0x40  }
0x66: {  	[sflag:s28] =	ssyncset.done $0x0  }
0x67: {  	s2 =	simm.s32 $0x80;
	[sflag:s28] =	ssyncadd.s32 $0xFFFFFFC0  }
0x68: {  	v21 =	vld [tilespmem:s2+$0x0]  }
0x69: {  	v22 =	vld [tilespmem:s2+$0x10];
	_ =	sdelay $0x1  }
0x6a: {  	v23 =	vld [tilespmem:s2+$0x20];
	_ =	sdelay $0x1  }
0x6b: {  	v24 =	vld [tilespmem:s2+$0x30]  }
0x6c: {  	v25 =	vadd.f32 v22, v21  }
0x6d: {  	v26 =	vld [tilespmem:s2+$0x40]  }
0x6e: {  	v25 =	vadd.f32 v23, v25  }
0x6f: {  	v27 =	vld [tilespmem:s2+$0x50]  }
0x70: {  	v25 =	vadd.f32 v24, v25  }
0x71: {  	v34 =	vld [tilespmem:s2+$0x60]  }
0x72: {  	v25 =	vadd.f32 v26, v25  }
0x73: {  	v35 =	vld [tilespmem:s2+$0x70]  }
0x74: {  	v25 =	vadd.f32 v27, v25;
	_ =	sdelay $0x1  }
0x75: {  	v25 =	vadd.f32 v34, v25;
	_ =	sdelay $0x1  }
0x76: {  	v25 =	vadd.f32 v35, v25;
	_ =	sdelay $0x1  }
0x77: {  	v28 =	vperm.xlane v25, v1  }
0x78: {  	v37 =	vld [tilespmem:s2+$0xFFFFFF80]  }
0x79: {  	v38 =	vld [tilespmem:s2+$0xFFFFFF90];
	v25 =	vadd.f32 v28, v25;
	_ =	sdelay $0x1  }
0x7a: {  	v39 =	vld [tilespmem:s2+$0xFFFFFFA0];
	v28 =	vperm.xlane v25, v2;
	_ =	sdelay $0x1  }
0x7b: {  	v40 =	vld [tilespmem:s2+$0xFFFFFFB0];
	v25 =	vadd.f32 v28, v25  }
0x7c: {  	v28 =	vadd.f32 v38, v37  }
0x7d: {  	v41 =	vld [tilespmem:s2+$0xFFFFFFC0];
	v29 =	vperm.xlane v25, v3  }
0x7e: {  	v28 =	vadd.f32 v39, v28  }
0x7f: {  	v42 =	vld [tilespmem:s2+$0xFFFFFFD0];
	v25 =	vadd.f32 v29, v25  }
0x80: {  	v28 =	vadd.f32 v40, v28  }
0x81: {  	v43 =	vld [tilespmem:s2+$0xFFFFFFE0];
	v29 =	vperm.xlane v25, v4  }
0x82: {  	v28 =	vadd.f32 v41, v28  }
0x83: {  	v44 =	vld [tilespmem:s2+$0xFFFFFFF0];
	v25 =	vadd.f32 v29, v25  }
0x84: {  	v28 =	vadd.f32 v42, v28  }
0x85: {  	v25 =	vmul.f32 $7.812500000e-03, v25  }
0x86: {  	v28 =	vadd.f32 v43, v28  }
0x87: {  	v32 =	vsub.f32 v21, v25;
	v31 =	vsub.f32 v22, v25  }
0x88: {  	v21 =	vadd.f32 v44, v28  }
0x89: {  	v29 =	vsub.f32 v23, v25;
	v22 =	vmul.f32 v32, v32;
	v23 =	vmul.f32 v31, v31  }
0x8a: {  	v28 =	vperm.xlane v21, v1  }
0x8b: {  	v33 =	vsub.f32 v24, v25;
	v24 =	vmul.f32 v29, v29;
	v22 =	vadd.f32 v23, v22  }
0x8c: {  	v21 =	vadd.f32 v28, v21  }
0x8d: {  	v28 =	vsub.f32 v26, v25;
	v23 =	vmul.f32 v33, v33;
	v22 =	vadd.f32 v22, v24  }
0x8e: {  	v24 =	vperm.xlane v21, v2  }
0x8f: {  	v30 =	vsub.f32 v27, v25;
	v22 =	vadd.f32 v22, v23;
	v23 =	vmul.f32 v28, v28  }
0x90: {  	v21 =	vadd.f32 v24, v21  }
0x91: {  	v36 =	vsub.f32 v34, v25;
	v22 =	vadd.f32 v22, v23;
	v23 =	vmul.f32 v30, v30  }
0x92: {  	v24 =	vperm.xlane v21, v3  }
0x93: {  	v25 =	vsub.f32 v35, v25;
	v22 =	vadd.f32 v22, v23;
	v23 =	vmul.f32 v36, v36  }
0x94: {  	v21 =	vadd.f32 v24, v21  }
0x95: {  	v22 =	vadd.f32 v22, v23;
	v23 =	vmul.f32 v25, v25  }
0x96: {  	v24 =	vperm.xlane v21, v4  }
0x97: {  	v22 =	vadd.f32 v22, v23  }
0x98: {  	v21 =	vadd.f32 v24, v21  }
0x99: {  	v23 =	vperm.xlane v22, v1  }
0x9a: {  	v61 =	vmul.f32 $7.812500000e-03, v21  }
0x9b: {  	v21 =	vadd.f32 v22, v23  }
0x9c: {  	v27 =	vsub.f32 v37, v61;
	v23 =	vsub.f32 v38, v61  }
0x9d: {  	v22 =	vperm.xlane v21, v2  }
0x9e: {  	v24 =	vsub.f32 v39, v61;
	v62 =	vmul.f32 v27, v27;
	v63 =	vmul.f32 v23, v23  }
0x9f: {  	v21 =	vadd.f32 v21, v22  }
0xa0: {  	v26 =	vsub.f32 v40, v61;
	v45 =	vmul.f32 v24, v24;
	v35 =	vadd.f32 v63, v62  }
0xa1: {  	v46 =	vperm.xlane v21, v3  }
0xa2: {  	v47 =	vmul.f32 v26, v26;
	v22 =	vsub.f32 v41, v61;
	v35 =	vadd.f32 v35, v45  }
0xa3: {  	v38 =	vadd.f32 v21, v46  }
0xa4: {  	v48 =	vmul.f32 v22, v22;
	v21 =	vsub.f32 v42, v61;
	v37 =	vadd.f32 v35, v47  }
0xa5: {  	v49 =	vperm.xlane v38, v4  }
0xa6: {  	v35 =	vsub.f32 v43, v61;
	v37 =	vadd.f32 v37, v48;
	v50 =	vmul.f32 v21, v21  }
0xa7: {  	v38 =	vadd.f32 v38, v49  }
0xa8: {  	v34 =	vsub.f32 v44, v61;
	v51 =	vmul.f32 v35, v35;
	v37 =	vadd.f32 v37, v50  }
0xa9: {  	v38 =	vmul.f32 $7.812500000e-03, v38  }
0xaa: {  	v52 =	vmul.f32 v34, v34;
	v37 =	vadd.f32 v37, v51  }
0xab: {  	v38 =	vadd.f32 $9.999999740e-06, v38  }
0xac: {  	v37 =	vadd.f32 v37, v52  }
0xad: {  	v53 =	vshra.s32 v38, $0x1;
	v54 =	vmul.f32 $5.000000000e-01, v38  }
0xae: {  	v55 =	vperm.xlane v37, v1;
	v39 =	vsub.s32 $0x5F3759DF, v53  }
0xaf: {  	v56 =	vmul.f32 v39, v54  }
0xb0: {  	v37 =	vadd.f32 v37, v55  }
0xb1: {  	v57 =	vmul.f32 v39, v56  }
0xb2: {  	v58 =	vperm.xlane v37, v2  }
0xb3: {  	v38 =	vsub.f32 $1.500000000e+00, v57  }
0xb4: {  	v37 =	vadd.f32 v37, v58  }
0xb5: {  	v38 =	vmul.f32 v39, v38  }
0xb6: {  	v59 =	vperm.xlane v37, v3  }
0xb7: {  	v60 =	vmul.f32 v38, v54  }
0xb8: {  	v37 =	vadd.f32 v37, v59  }
0xb9: {  	v61 =	vmul.f32 v60, v38  }
0xba: {  	v62 =	vperm.xlane v37, v4  }
0xbb: {  	v39 =	vsub.f32 $1.500000000e+00, v61  }
0xbc: {  	v37 =	vadd.f32 v37, v62  }
0xbd: {  	v38 =	vmul.f32 v39, v38  }
0xbe: {  	v37 =	vmul.f32 $7.812500000e-03, v37  }
0xbf: {  	v39 =	vmul.f32 v38, v54  }
0xc0: {  	v37 =	vadd.f32 $9.999999740e-06, v37  }
0xc1: {  	v40 =	vmul.f32 v39, v38  }
0xc2: {  	v63 =	vshra.s32 v37, $0x1;
	v37 =	vmul.f32 $5.000000000e-01, v37  }
0xc3: {  	v39 =	vsub.s32 $0x5F3759DF, v63;
	v40 =	vsub.f32 $1.500000000e+00, v40  }
0xc4: {  	s29 =	simm.s32 $0x0;
	s26 =	simm.s32 $0x80;
	v41 =	vmul.f32 v39, v37  }
.LBB2_5:
0xc5: {  	s29 =	sadd.s32 $0x2, s29;
	v38 =	vmul.f32 v40, v38;
	s2 =	sadd.s32 $0x100, s2  }
0xc6: {  	p0 =	slt.u32 s29, $0x3E;
	v40 =	vmul.f32 v39, v41  }
0xc7: {  	v32 =	vmul.f32 v38, v32;
	v36 =	vmul.f32 v38, v36  }
0xc8: {  	v31 =	vmul.f32 v38, v31;
	v33 =	vmul.f32 v38, v33;
	v40 =	vsub.f32 $1.500000000e+00, v40  }
0xc9: {  	v29 =	vmul.f32 v38, v29;
	v32 =	vmul.f32 v32, v5  }
0xca: {  	v31 =	vmul.f32 v31, v6;
	v39 =	vmul.f32 v39, v40  }
0xcb: {  	v28 =	vmul.f32 v38, v28;
	v29 =	vmul.f32 v29, v7;
	v32 =	vadd.f32 v32, v13  }
0xcc: {  	v30 =	vmul.f32 v38, v30;
	v31 =	vadd.f32 v31, v14;
	v40 =	vmul.f32 v39, v37  }
0xcd: {  	v29 =	vadd.f32 v29, v15;
	[tilespmem:s26+$0x0] =	vst v32;
	v32 =	vmul.f32 v33, v8;
	v33 =	vmul.f32 v28, v9  }
0xce: {  	v30 =	vmul.f32 v30, v10;
	v28 =	vld [tilespmem:s2+$0x0];
	v40 =	vmul.f32 v40, v39;
	[tilespmem:s26+$0x10] =	vst v31  }
0xcf: {  	v25 =	vmul.f32 v38, v25;
	[tilespmem:s26+$0x20] =	vst v29;
	v29 =	vadd.f32 v32, v16;
	v31 =	vadd.f32 v33, v17  }
0xd0: {  	v36 =	vmul.f32 v36, v11;
	v30 =	vadd.f32 v30, v18;
	v33 =	vld [tilespmem:s2+$0x10];
	v32 =	vsub.f32 $1.500000000e+00, v40  }
0xd1: {  	v25 =	vmul.f32 v25, v12;
	[tilespmem:s26+$0x30] =	vst v29  }
0xd2: {  	v29 =	vld [tilespmem:s2+$0x20];
	v32 =	vmul.f32 v32, v39;
	[tilespmem:s26+$0x50] =	vst v30;
	v30 =	vadd.f32 v36, v19  }
0xd3: {  	v25 =	vadd.f32 v25, v20;
	v36 =	vld [tilespmem:s2+$0x50];
	[tilespmem:s26+$0x40] =	vst v31  }
0xd4: {  	v38 =	vld [tilespmem:s2+$0x30];
	v31 =	vmul.f32 v32, v37;
	[tilespmem:s26+$0x60] =	vst v30  }
0xd5: {  	v30 =	vadd.f32 v33, v28;
	[tilespmem:s26+$0x70] =	vst v25  }
0xd6: {  	v25 =	vld [tilespmem:s2+$0x40];
	v31 =	vmul.f32 v31, v32  }
0xd7: {  	v30 =	vadd.f32 v29, v30  }
0xd8: {  	v31 =	vsub.f32 $1.500000000e+00, v31  }
0xd9: {  	v30 =	vadd.f32 v38, v30  }
0xda: {  	v37 =	vld [tilespmem:s2+$0x60];
	v31 =	vmul.f32 v31, v32  }
0xdb: {  	v30 =	vadd.f32 v25, v30  }
0xdc: {  	v39 =	vld [tilespmem:s2+$0x70];
	v27 =	vmul.f32 v31, v27;
	v26 =	vmul.f32 v31, v26  }
0xdd: {  	v24 =	vmul.f32 v31, v24;
	v32 =	vmul.f32 v31, v35;
	v30 =	vadd.f32 v36, v30  }
0xde: {  	v23 =	vmul.f32 v31, v23;
	v27 =	vmul.f32 v27, v5  }
0xdf: {  	v34 =	vmul.f32 v31, v34;
	v32 =	vmul.f32 v32, v11;
	v30 =	vadd.f32 v37, v30  }
0xe0: {  	v22 =	vmul.f32 v31, v22;
	v23 =	vmul.f32 v23, v6;
	v27 =	vadd.f32 v27, v13  }
0xe1: {  	v26 =	vmul.f32 v26, v8;
	v32 =	vadd.f32 v32, v19;
	v30 =	vadd.f32 v39, v30  }
0xe2: {  	v21 =	vmul.f32 v31, v21;
	v24 =	vmul.f32 v24, v7;
	v23 =	vadd.f32 v23, v14;
	[tilespmem:s26+$0xFFFFFF80] =	vst v27  }
0xe3: {  	v22 =	vmul.f32 v22, v9;
	v26 =	vadd.f32 v26, v16;
	v27 =	vperm.xlane v30, v1;
	[tilespmem:s26+$0xFFFFFFE0] =	vst v32  }
0xe4: {  	v21 =	vmul.f32 v21, v10;
	v35 =	vld [tilespmem:s2+$0xFFFFFF80];
	[tilespmem:s26+$0xFFFFFF90] =	vst v23;
	v23 =	vadd.f32 v24, v15;
	v24 =	vmul.f32 v34, v12  }
0xe5: {  	v22 =	vadd.f32 v22, v17;
	v34 =	vld [tilespmem:s2+$0xFFFFFF90];
	v27 =	vadd.f32 v27, v30;
	[tilespmem:s26+$0xFFFFFFB0] =	vst v26  }
0xe6: {  	v21 =	vadd.f32 v21, v18;
	[tilespmem:s26+$0xFFFFFFA0] =	vst v23;
	v23 =	vadd.f32 v24, v20  }
0xe7: {  	v26 =	vld [tilespmem:s2+$0xFFFFFFB0];
	v24 =	vperm.xlane v27, v2;
	[tilespmem:s26+$0xFFFFFFC0] =	vst v22  }
0xe8: {  	v22 =	vld [tilespmem:s2+$0xFFFFFFA0];
	[tilespmem:s26+$0xFFFFFFF0] =	vst v23  }
0xe9: {  	v40 =	vld [tilespmem:s2+$0xFFFFFFC0];
	v23 =	vadd.f32 v24, v27;
	[tilespmem:s26+$0xFFFFFFD0] =	vst v21;
	s26 =	smov.u32 s2  }
0xea: {  	v21 =	vld [tilespmem:s2+$0xFFFFFFD0];
	v24 =	vadd.f32 v34, v35  }
0xeb: {  	v27 =	vperm.xlane v23, v3;
	_ =	sdelay $0x1  }
0xec: {  	v24 =	vadd.f32 v22, v24;
	v23 =	vadd.f32 v27, v23;
	_ =	sdelay $0x1  }
0xed: {  	v24 =	vadd.f32 v26, v24;
	v27 =	vperm.xlane v23, v4  }
0xee: {  	v41 =	vld [tilespmem:s2+$0xFFFFFFE0]  }
0xef: {  	v24 =	vadd.f32 v40, v24;
	v23 =	vadd.f32 v27, v23  }
0xf0: {  	v42 =	vld [tilespmem:s2+$0xFFFFFFF0]  }
0xf1: {  	v24 =	vadd.f32 v21, v24;
	v23 =	vmul.f32 $7.812500000e-03, v23;
	_ =	sdelay $0x1  }
0xf2: {  	v24 =	vadd.f32 v41, v24;
	v32 =	vsub.f32 v28, v23  }
0xf3: {  	v31 =	vsub.f32 v33, v23;
	v29 =	vsub.f32 v29, v23  }
0xf4: {  	v33 =	vsub.f32 v38, v23;
	v24 =	vadd.f32 v42, v24;
	v27 =	vmul.f32 v32, v32  }
0xf5: {  	v28 =	vsub.f32 v25, v23;
	v30 =	vsub.f32 v36, v23;
	v38 =	vmul.f32 v31, v31  }
0xf6: {  	v36 =	vsub.f32 v37, v23;
	v37 =	vmul.f32 v29, v29;
	v43 =	vperm.xlane v24, v1  }
0xf7: {  	v25 =	vsub.f32 v39, v23;
	v23 =	vadd.f32 v38, v27  }
0xf8: {  	v27 =	vmul.f32 v33, v33;
	v24 =	vadd.f32 v43, v24  }
0xf9: {  	v23 =	vadd.f32 v23, v37  }
0xfa: {  	v37 =	vperm.xlane v24, v2  }
0xfb: {  	v23 =	vadd.f32 v23, v27;
	v27 =	vmul.f32 v28, v28  }
0xfc: {  	v24 =	vadd.f32 v37, v24  }
0xfd: {  	v23 =	vadd.f32 v23, v27;
	v27 =	vmul.f32 v30, v30  }
0xfe: {  	v37 =	vperm.xlane v24, v3  }
0xff: {  	v23 =	vadd.f32 v23, v27;
	v27 =	vmul.f32 v36, v36  }
0x100: {  	v24 =	vadd.f32 v37, v24  }
0x101: {  	v23 =	vadd.f32 v23, v27;
	v27 =	vmul.f32 v25, v25  }
0x102: {  	v37 =	vperm.xlane v24, v4  }
0x103: {  	v23 =	vadd.f32 v23, v27  }
0x104: {  	v24 =	vadd.f32 v37, v24  }
0x105: {  	v27 =	vperm.xlane v23, v1  }
0x106: {  	v37 =	vmul.f32 $7.812500000e-03, v24  }
0x107: {  	v38 =	vadd.f32 v23, v27  }
0x108: {  	v27 =	vsub.f32 v35, v37;
	v23 =	vsub.f32 v34, v37  }
0x109: {  	v24 =	vsub.f32 v22, v37;
	v26 =	vsub.f32 v26, v37;
	v34 =	vperm.xlane v38, v2  }
0x10a: {  	v22 =	vsub.f32 v40, v37;
	v35 =	vmul.f32 v27, v27;
	v39 =	vmul.f32 v23, v23  }
0x10b: {  	v21 =	vsub.f32 v21, v37;
	v34 =	vadd.f32 v38, v34  }
0x10c: {  	v38 =	vmul.f32 v24, v24;
	v35 =	vadd.f32 v39, v35  }
0x10d: {  	v39 =	vperm.xlane v34, v3  }
0x10e: {  	v35 =	vadd.f32 v35, v38;
	v38 =	vmul.f32 v26, v26  }
0x10f: {  	v34 =	vadd.f32 v34, v39  }
0x110: {  	v39 =	vmul.f32 v22, v22;
	v38 =	vadd.f32 v35, v38  }
0x111: {  	v40 =	vperm.xlane v34, v4  }
0x112: {  	v35 =	vsub.f32 v41, v37;
	v38 =	vadd.f32 v38, v39;
	v39 =	vmul.f32 v21, v21  }
0x113: {  	v40 =	vadd.f32 v34, v40  }
0x114: {  	v34 =	vsub.f32 v42, v37;
	v37 =	vadd.f32 v38, v39;
	v38 =	vmul.f32 v35, v35  }
0x115: {  	v39 =	vmul.f32 $7.812500000e-03, v40  }
0x116: {  	v37 =	vadd.f32 v37, v38;
	v38 =	vmul.f32 v34, v34  }
0x117: {  	v39 =	vadd.f32 $9.999999740e-06, v39  }
0x118: {  	v37 =	vadd.f32 v37, v38  }
0x119: {  	v38 =	vshra.s32 v39, $0x1;
	v39 =	vmul.f32 $5.000000000e-01, v39  }
0x11a: {  	v38 =	vsub.s32 $0x5F3759DF, v38;
	v40 =	vperm.xlane v37, v1  }
0x11b: {  	v41 =	vmul.f32 v38, v39  }
0x11c: {  	v37 =	vadd.f32 v37, v40  }
0x11d: {  	v40 =	vmul.f32 v38, v41  }
0x11e: {  	v41 =	vperm.xlane v37, v2  }
0x11f: {  	v40 =	vsub.f32 $1.500000000e+00, v40  }
0x120: {  	v37 =	vadd.f32 v37, v41  }
0x121: {  	v38 =	vmul.f32 v38, v40  }
0x122: {  	v40 =	vperm.xlane v37, v3  }
0x123: {  	v41 =	vmul.f32 v38, v39  }
0x124: {  	v37 =	vadd.f32 v37, v40  }
0x125: {  	v40 =	vmul.f32 v41, v38  }
0x126: {  	v41 =	vperm.xlane v37, v4  }
0x127: {  	v40 =	vsub.f32 $1.500000000e+00, v40  }
0x128: {  	v37 =	vadd.f32 v37, v41  }
0x129: {  	v38 =	vmul.f32 v40, v38  }
0x12a: {  	v37 =	vmul.f32 $7.812500000e-03, v37  }
0x12b: {  	v39 =	vmul.f32 v38, v39  }
.Ltmp1:
0x12c: {  	v37 =	vadd.f32 $9.999999740e-06, v37;
	(pc) =	sbr.rel @p0 .LBB2_5-.Ltmp1, $4  }
0x12d: {  	v40 =	vmul.f32 v39, v38  }
0x12e: {  	v39 =	vshra.s32 v37, $0x1;
	v37 =	vmul.f32 $5.000000000e-01, v37  }
0x12f: {  	v40 =	vsub.f32 $1.500000000e+00, v40;
	v39 =	vsub.s32 $0x5F3759DF, v39  }
0x130: {  	v41 =	vmul.f32 v39, v37  }
0x131: {  	_ = 	snop  }
0x132: {  	v41 =	vmul.f32 v39, v41;
	_ =	sdelay $0x1  }
0x133: {  	v41 =	vsub.f32 $1.500000000e+00, v41;
	_ =	sdelay $0x1  }
0x134: {  	v51 =	vmul.f32 v39, v41;
	_ =	sdelay $0x1  }
0x135: {  	v41 =	vmul.f32 v51, v37;
	_ =	sdelay $0x1  }
0x136: {  	v41 =	vmul.f32 v41, v51;
	_ =	sdelay $0x1  }
0x137: {  	v41 =	vsub.f32 $1.500000000e+00, v41  }
0x138: {  	v38 =	vmul.f32 v40, v38  }
0x139: {  	v39 =	vmul.f32 v41, v51  }
0x13a: {  	v32 =	vmul.f32 v38, v32;
	v36 =	vmul.f32 v38, v36  }
0x13b: {  	v31 =	vmul.f32 v38, v31;
	v52 =	vmul.f32 v39, v37  }
0x13c: {  	v29 =	vmul.f32 v38, v29;
	v33 =	vmul.f32 v38, v33  }
0x13d: {  	v32 =	vmul.f32 v32, v5;
	v37 =	vmul.f32 v52, v39  }
0x13e: {  	v30 =	vmul.f32 v38, v30;
	v31 =	vmul.f32 v31, v6  }
0x13f: {  	v29 =	vmul.f32 v29, v7;
	v32 =	vadd.f32 v32, v13;
	v37 =	vsub.f32 $1.500000000e+00, v37  }
0x140: {  	v28 =	vmul.f32 v38, v28;
	v33 =	vmul.f32 v33, v8;
	v31 =	vadd.f32 v31, v14  }
0x141: {  	v30 =	vmul.f32 v30, v10;
	v29 =	vadd.f32 v29, v15;
	[tilespmem:s26+$0x0] =	vst v32;
	v53 =	vmul.f32 v37, v39  }
0x142: {  	v25 =	vmul.f32 v38, v25;
	v28 =	vmul.f32 v28, v9;
	v54 =	vadd.f32 v33, v16;
	[tilespmem:s26+$0x10] =	vst v31  }
0x143: {  	v56 =	vmul.f32 v36, v11;
	v55 =	vadd.f32 v30, v18;
	[tilespmem:s26+$0x20] =	vst v29;
	v27 =	vmul.f32 v53, v27  }
0x144: {  	v25 =	vmul.f32 v25, v12;
	v28 =	vadd.f32 v28, v17;
	[tilespmem:s26+$0x30] =	vst v54;
	v57 =	vmul.f32 v53, v35  }
0x145: {  	v58 =	vadd.f32 v56, v19;
	[tilespmem:s26+$0x50] =	vst v55;
	v23 =	vmul.f32 v53, v23;
	v27 =	vmul.f32 v27, v5  }
0x146: {  	v25 =	vadd.f32 v25, v20;
	[tilespmem:s26+$0x40] =	vst v28;
	v26 =	vmul.f32 v53, v26;
	v59 =	vmul.f32 v57, v11  }
0x147: {  	[tilespmem:s26+$0x60] =	vst v58;
	v22 =	vmul.f32 v53, v22;
	v23 =	vmul.f32 v23, v6;
	v27 =	vadd.f32 v27, v13  }
0x148: {  	[tilespmem:s26+$0x70] =	vst v25;
	v24 =	vmul.f32 v53, v24;
	v60 =	vmul.f32 v26, v8;
	v61 =	vadd.f32 v59, v19  }
0x149: {  	v21 =	vmul.f32 v53, v21;
	v22 =	vmul.f32 v22, v9;
	v23 =	vadd.f32 v23, v14;
	[tilespmem:s26+$0xFFFFFF80] =	vst v27  }
0x14a: {  	v62 =	vmul.f32 v53, v34;
	v24 =	vmul.f32 v24, v7;
	v25 =	vadd.f32 v60, v16;
	[tilespmem:s26+$0xFFFFFFE0] =	vst v61  }
0x14b: {  	v21 =	vmul.f32 v21, v10;
	v22 =	vadd.f32 v22, v17;
	[tilespmem:s26+$0xFFFFFF90] =	vst v23  }
0x14c: {  	v63 =	vmul.f32 v62, v12;
	v23 =	vadd.f32 v24, v15;
	[tilespmem:s26+$0xFFFFFFB0] =	vst v25  }
0x14d: {  	v21 =	vadd.f32 v21, v18;
	[tilespmem:s26+$0xFFFFFFC0] =	vst v22  }
0x14e: {  	s5 =	sadd.s32 $0x1, s5;
	[tilespmem:s26+$0xFFFFFFA0] =	vst v23;
	v23 =	vadd.f32 v63, v20  }
0x14f: {  	p0 =	sne.s32 s5, $0x30;
	[tilespmem:s26+$0xFFFFFFD0] =	vst v21  }
.Ltmp2:
0x150: {  	[tilespmem:s26+$0xFFFFFFF0] =	vst v23;
	(pc) =	sbr.rel @p0 .LBB2_4-.Ltmp2, $4  }
0x151: {  	[spmem:s3] =	stream.indirect.scatter.add.f32 [tilespmem:s4], [sflag:$0x1], $0x80, s30, s31, $0xb8;
	[tilespmem:$0x12880] =	vst v63  }
0x152: {  	_ =	swait.ge [sflag:s28], $0x2000  }
0x153: {  	[sflag:s28] =	ssyncset.done $0x0  }
0x154: {  	[sflag:s28] =	ssyncadd.s32 $0xFFFFE000  }
0x155: {  	[bflag:$0x0] =	sbarrier.arrive $0xFFFF  }
0x156: {  	[tilespmem:s4], [sflag:$0x1] =	stream.linear.gather [spmem:s8], $0x2000, $0x38;
	[tilespmem:$0x12880] =	vst v63  }
0x157: {  	_ =	swait.ge [sflag:s28], $0x2000  }
0x158: {  	[sflag:s28] =	ssyncset.done $0x0  }
0x159: {  	[sflag:s28] =	ssyncadd.s32 $0xFFFFE000  }
0x15a: {  	[hbm4b:s18+s4] =	stream.linear.scatter [tilespmem:s4], [sflag:$0x1], $0x2000, $0x38;
	[tilespmem:$0x12880] =	vst v63  }
0x15b: {  	_ =	swait.ge [sflag:s28], $0x2000  }
0x15c: {  	[sflag:s28] =	ssyncset.done $0x0  }
0x15d: {  	[sflag:s28] =	ssyncadd.s32 $0xFFFFE000  }
0x15e: {  	[tilespmem:s4], [sflag:$0x1] =	stream.linear.gather [spmem:s11], $0x2000, $0x38;
	[tilespmem:$0x12880] =	vst v63  }
0x15f: {  	_ =	swait.ge [sflag:s28], $0x2000  }
0x160: {  	[sflag:s28] =	ssyncset.done $0x0  }
0x161: {  	[sflag:s28] =	ssyncadd.s32 $0xFFFFE000  }
0x162: {  	[hbm4b:s19+s4] =	stream.linear.scatter [tilespmem:s4], [sflag:$0x1], $0x2000, $0x38;
	[tilespmem:$0x12880] =	vst v63  }
0x163: {  	_ =	swait.ge [sflag:s28], $0x2000  }
0x164: {  	[sflag:s28] =	ssyncset.done $0x0  }
0x165: {  	[sflag:s28] =	ssyncadd.s32 $0xFFFFE000  }
0x166: {  	[tilespmem:s4], [sflag:$0x1] =	stream.linear.gather [spmem:s12], $0x2000, $0x38;
	[tilespmem:$0x12880] =	vst v63  }
0x167: {  	_ =	swait.ge [sflag:s28], $0x2000  }
0x168: {  	[sflag:s28] =	ssyncset.done $0x0  }
0x169: {  	[sflag:s28] =	ssyncadd.s32 $0xFFFFE000  }
0x16a: {  	[hbm4b:s20+s4] =	stream.linear.scatter [tilespmem:s4], [sflag:$0x1], $0x2000, $0x38;
	[tilespmem:$0x12880] =	vst v63  }
0x16b: {  	_ =	swait.ge [sflag:s28], $0x2000  }
0x16c: {  	[sflag:s28] =	ssyncset.done $0x0  }
0x16d: {  	[sflag:s28] =	ssyncadd.s32 $0xFFFFE000  }
0x16e: {  	[tilespmem:s4], [sflag:$0x1] =	stream.linear.gather [spmem:s13], $0x2000, $0x38;
	[tilespmem:$0x12880] =	vst v63  }
0x16f: {  	_ =	swait.ge [sflag:s28], $0x2000  }
0x170: {  	[sflag:s28] =	ssyncset.done $0x0  }
0x171: {  	[sflag:s28] =	ssyncadd.s32 $0xFFFFE000  }
0x172: {  	[hbm4b:s21+s4] =	stream.linear.scatter [tilespmem:s4], [sflag:$0x1], $0x2000, $0x38;
	[tilespmem:$0x12880] =	vst v63  }
0x173: {  	_ =	swait.ge [sflag:s28], $0x2000  }
0x174: {  	[sflag:s28] =	ssyncset.done $0x0  }
0x175: {  	[sflag:s28] =	ssyncadd.s32 $0xFFFFE000  }
0x176: {  	[tilespmem:s4], [sflag:$0x1] =	stream.linear.gather [spmem:s14], $0x2000, $0x38;
	[tilespmem:$0x12880] =	vst v63  }
0x177: {  	_ =	swait.ge [sflag:s28], $0x2000  }
0x178: {  	[sflag:s28] =	ssyncset.done $0x0  }
0x179: {  	[sflag:s28] =	ssyncadd.s32 $0xFFFFE000  }
0x17a: {  	[hbm4b:s22+s4] =	stream.linear.scatter [tilespmem:s4], [sflag:$0x1], $0x2000, $0x38;
	[tilespmem:$0x12880] =	vst v63  }
0x17b: {  	_ =	swait.ge [sflag:s28], $0x2000  }
0x17c: {  	[sflag:s28] =	ssyncset.done $0x0  }
0x17d: {  	[sflag:s28] =	ssyncadd.s32 $0xFFFFE000  }
0x17e: {  	[tilespmem:s4], [sflag:$0x1] =	stream.linear.gather [spmem:s15], $0x2000, $0x38;
	[tilespmem:$0x12880] =	vst v63  }
0x17f: {  	_ =	swait.ge [sflag:s28], $0x2000  }
0x180: {  	[sflag:s28] =	ssyncset.done $0x0  }
0x181: {  	[sflag:s28] =	ssyncadd.s32 $0xFFFFE000  }
0x182: {  	[hbm4b:s23+s4] =	stream.linear.scatter [tilespmem:s4], [sflag:$0x1], $0x2000, $0x38;
	[tilespmem:$0x12880] =	vst v63  }
0x183: {  	_ =	swait.ge [sflag:s28], $0x2000  }
0x184: {  	[sflag:s28] =	ssyncset.done $0x0  }
0x185: {  	[sflag:s28] =	ssyncadd.s32 $0xFFFFE000  }
0x186: {  	[tilespmem:s4], [sflag:$0x1] =	stream.linear.gather [spmem:s16], $0x2000, $0x38;
	[tilespmem:$0x12880] =	vst v63  }
0x187: {  	_ =	swait.ge [sflag:s28], $0x2000  }
0x188: {  	[sflag:s28] =	ssyncset.done $0x0  }
0x189: {  	[sflag:s28] =	ssyncadd.s32 $0xFFFFE000  }
0x18a: {  	[hbm4b:s24+s4] =	stream.linear.scatter [tilespmem:s4], [sflag:$0x1], $0x2000, $0x38;
	[tilespmem:$0x12880] =	vst v63  }
0x18b: {  	_ =	swait.ge [sflag:s28], $0x2000  }
0x18c: {  	[sflag:s28] =	ssyncset.done $0x0  }
0x18d: {  	[sflag:s28] =	ssyncadd.s32 $0xFFFFE000  }
0x18e: {  	[tilespmem:s4], [sflag:$0x1] =	stream.linear.gather [spmem:s17], $0x2000, $0x38;
	[tilespmem:$0x12880] =	vst v63  }
0x18f: {  	s0 =	sadd.s32 $0x1, s0;
	_ =	swait.ge [sflag:s28], $0x2000  }
0x190: {  	p0 =	sne.s32 s0, s10;
	[sflag:s28] =	ssyncset.done $0x0  }
.Ltmp3:
0x191: {  	[sflag:s28] =	ssyncadd.s32 $0xFFFFE000;
	(pc) =	sbr.rel @p0 .LBB2_1-.Ltmp3, $4  }
0x192: {  	[hbm4b:s25+s4] =	stream.linear.scatter [tilespmem:s4], [sflag:$0x1], $0x2000, $0x38;
	[tilespmem:$0x12880] =	vst v63  }
0x193: {  	_ =	swait.ge [sflag:s28], $0x2000  }
0x194: {  	[sflag:s28] =	ssyncset.done $0x0  }
0x195: {  	[sflag:s28] =	ssyncadd.s32 $0xFFFFE000  }
0x196: {  	_ =	sfence.sel $0x180000  }
0x197: {  	[bflag:$0x0] =	sbarrier.arrive $0xFFFF  }
0x198: {  	_ =	strace $0x90000047  }
0x199: {  	s0 =	stileid.u32;
	[bflag:$0x2] =	sbarrier.arrive $0xFFFF  }
0x19a: {  	p0 =	sne.s32 s0, $0x0;
	s0 =	rddreg [dreg:$0x4]  }
0x19b: {  	s0 =	sadd.s32 @!p0 $0x100000, s0  }
0x19c: {  	[sflag:s0] =	ssyncadd.tile.s32 @!p0 $0x1;
	_ =	shalt  }
.Lfunc_end2:
_tile_overlayer_lowered:
.L_overlay_start_2:
0x19d: {  	(tag) =	ssettag $0x2  }
0x19e: {  	s0 =	rddreg [dreg:$0x0];
	s2 =	stileid.u32  }
0x19f: {  	s1 =	rddreg [dreg:$0x1];
	p0 =	sne.s32 s2, $0x0  }
0x1a0: {  	s3 =	rddreg [dreg:$0x2];
	[bflag:$0x3] =	sbarrier.arrive $0xFFFF;
	s2 =	simm.s32 @!p0 $0x1C01  }
0x1a1: {  	[timem:s3], [sflag:s2] =	dma.local @!p0 [hbm:s0], s1  }
0x1a2: {  	s0 =	simm.s32 @!p0 $0x1  }
0x1a3: {  	_ =	swait.ge @!p0 [sflag:s0], s1  }
0x1a4: {  	s1 =	ssub.s32 @!p0 $0x0, s1;
	[sflag:s0] =	ssyncset.done @!p0 $0x0  }
0x1a5: {  	[sflag:s0] =	ssyncadd.s32 @!p0 s1  }
0x1a6: {  	[bflag:$0x3] =	sbarrier.arrive $0xFFFF  }
0x1a7: {  	_ =	shalt  }

</sc_bundles>
